<compile_context>
chip_gen: v7x
topology: tpu7x:2x2x1
jax: 0.10.2.dev20260603
libtpu: 0.0.44.dev20260713+nightly
codegen_flags: <defaults>
</compile_context>

<pallas_src>
import jax
import jax.numpy as jnp
from jax import lax
from jax.experimental import pallas as pl
from jax.experimental.pallas import tpu as pltpu
from jax.experimental.pallas import tpu_sc as plsc

VOCAB = 1000000
MAXLEN = 200
EMBED_DIM = 32
BATCH = 4096

NC = 2
NS = 16
NW = NC * NS

LB = MAXLEN // 8
BB = BATCH // 128
DB = EMBED_DIM // 8


def _body(x4_hbm, tok_hbm, pos_hbm, out_hbm, xt_v, rows_v, ob_v, pos_v,
          gsem, wsem):
    wid = lax.axis_index("s") * NC + lax.axis_index("c")

    pltpu.sync_copy(pos_hbm, pos_v)

    lane = jax.lax.iota(jnp.int32, 16)

    def fire(buf, lb):
        pltpu.sync_copy(x4_hbm.at[lb, wid], xt_v.at[buf])
        for li in range(8):
            pltpu.async_copy(tok_hbm.at[xt_v.at[buf, li]],
                             rows_v.at[buf, li], gsem)

    fire(0, 0)

    def lb_body(lb, carry):
        buf = lax.rem(lb, 2)
        nbuf = 1 - buf

        @pl.when(lb + 1 < LB)
        def _():
            fire(nbuf, lb + 1)

        for li in range(8):
            pltpu.make_async_copy(tok_hbm.at[xt_v.at[buf, li]],
                                  rows_v.at[buf, li], gsem).wait()

        for li in range(8):
            l = lb * 8 + li

            if li % 4 == 0:
                @pl.when((lb > 0) | (li >= 4))
                def _():
                    for _k in range(4 * DB):
                        pltpu.make_async_copy(
                            ob_v.at[0, pl.ds(0, 8), pl.ds(0, 128)],
                            out_hbm.at[0, 0, wid], wsem).wait()

            obuf = li % 4
            rows = rows_v.at[buf, li]
            ob = ob_v.at[obuf]
            p0 = pos_v[l, pl.ds(0, 16)]
            p1 = pos_v[l, pl.ds(16, 16)]

            def b_body(bi, carry2):
                bsp = jnp.full((16,), bi, jnp.int32)
                v0 = rows[bi, pl.ds(0, 16)] + p0
                v1 = rows[bi, pl.ds(16, 16)] + p1
                plsc.store_scatter(ob, [lane, bsp], v0)
                plsc.store_scatter(ob, [lane + 16, bsp], v1)
                return carry2

            lax.fori_loop(0, 128, b_body, 0, unroll=8)
            for db in range(DB):
                pltpu.async_copy(
                    ob.at[pl.ds(db * 8, 8), pl.ds(0, 128)],
                    out_hbm.at[l, db, wid], wsem)
        return carry

    lax.fori_loop(0, LB, lb_body, 0)

    for _k in range(4 * DB):
        pltpu.make_async_copy(ob_v.at[0, pl.ds(0, 8), pl.ds(0, 128)],
                              out_hbm.at[0, 0, wid], wsem).wait()


NRB = 7813


def _relayout_body(tokT_hbm, tail_hbm, out_hbm, slab_v, ob_v, wsem):
    wid = lax.axis_index("s") * NC + lax.axis_index("c")
    lane = jax.lax.iota(jnp.int32, 16)
    rb0 = wid * 245
    nrb = jnp.minimum(245, 7812 - rb0)

    def transpose_rows(obase):
        def r_body(rr, c2):
            rot = lax.rem(rr + lane, 128)
            v0 = plsc.load_gather(slab_v, [lane, rot])
            v1 = plsc.load_gather(slab_v, [lane + 16, rot])
            plsc.store_scatter(ob_v, [obase + rot * 32 + lane], v0)
            plsc.store_scatter(ob_v, [obase + rot * 32 + 16 + lane], v1)
            return c2

        lax.fori_loop(0, 128, r_body, 0, unroll=8)

    def rb_body(i, carry):
        rb = rb0 + i
        obase = lax.rem(i, 2) * (128 * 32)
        r0 = pl.multiple_of(rb * 128, 128)
        pltpu.sync_copy(tokT_hbm.at[:, pl.ds(r0, 128)], slab_v)

        @pl.when(i >= 2)
        def _():
            pltpu.make_async_copy(ob_v.at[pl.ds(0, 128 * 32)],
                                  out_hbm.at[pl.ds(0, 128 * 32)],
                                  wsem).wait()

        transpose_rows(obase)
        pltpu.async_copy(
            ob_v.at[pl.ds(pl.multiple_of(obase, 128 * 32), 128 * 32)],
            out_hbm.at[pl.ds(r0 * 32, 128 * 32)], wsem)
        return carry

    lax.fori_loop(0, nrb, rb_body, 0)
    for _k in range(2):
        pltpu.make_async_copy(ob_v.at[pl.ds(0, 128 * 32)],
                              out_hbm.at[pl.ds(0, 128 * 32)], wsem).wait()

    @pl.when(wid == NW - 1)
    def _():
        pltpu.sync_copy(tail_hbm, ob_v.at[pl.ds(0, 64 * 32)])
        pltpu.sync_copy(ob_v.at[pl.ds(0, 64 * 32)],
                        out_hbm.at[pl.ds(7812 * 128 * 32, 64 * 32)])


@jax.jit
def _relayout(tokT, tail):
    mesh = plsc.VectorSubcoreMesh(
        core_axis_name="c", subcore_axis_name="s",
        num_cores=NC, num_subcores=NS,
    )
    kern = pl.kernel(
        _relayout_body,
        out_type=jax.ShapeDtypeStruct((VOCAB * EMBED_DIM,), jnp.float32),
        mesh=mesh,
        scratch_types=[
            pltpu.VMEM((EMBED_DIM, 128), jnp.float32),
            pltpu.VMEM((2 * 128 * EMBED_DIM,), jnp.float32),
            pltpu.SemaphoreType.DMA,
        ],
        compiler_params=pltpu.CompilerParams(use_tc_tiling_on_sc=True,
                                             needs_layout_passes=False),
    )
    return kern(tokT, tail)


@jax.jit
def _run(x4, token_table, pos_table):
    mesh = plsc.VectorSubcoreMesh(
        core_axis_name="c", subcore_axis_name="s",
        num_cores=NC, num_subcores=NS,
    )
    kern = pl.kernel(
        _body,
        out_type=jax.ShapeDtypeStruct((MAXLEN, DB, BB, 8, 128), jnp.float32),
        mesh=mesh,
        scratch_types=[
            pltpu.VMEM((2, 8, 128), jnp.int32),
            pltpu.VMEM((2, 8, 128, EMBED_DIM), jnp.float32),
            pltpu.VMEM((4, EMBED_DIM, 129), jnp.float32),
            pltpu.VMEM((MAXLEN, EMBED_DIM), jnp.float32),
            pltpu.SemaphoreType.DMA,
            pltpu.SemaphoreType.DMA,
        ],
        compiler_params=pltpu.CompilerParams(use_tc_tiling_on_sc=False,
                                             needs_layout_passes=False),
    )
    return kern(x4, token_table, pos_table)


def kernel(x, token_table, pos_table):
    x4 = x.T.reshape(LB, 8, BB, 128).transpose(0, 2, 1, 3)
    tail = token_table[7812 * 128:].reshape(-1)
    tok_rm = _relayout(token_table.T, tail).reshape(VOCAB, EMBED_DIM)
    out5 = _run(x4, tok_rm, pos_table)
    out = out5.transpose(2, 4, 0, 1, 3).reshape(BATCH, MAXLEN, EMBED_DIM)
    return out

# --- scband reference (transcript-rebuilt; emitter-appended) ---
"""Pipeline reference for scband-token-and-position-embedding-72103910965857 (READ-ONLY COPY).

The authoritative reference and input builder live on the scoring server;
editing this copy changes nothing except your own understanding.
"""

import jax, jax.numpy as jnp
import numpy as np

VOCAB = 1000000
MAXLEN = 200
EMBED_DIM = 32
BATCH = 4096

def setup_inputs(seed: int = 0) -> dict:
    key = jax.random.key(seed)
    k1, k2, k3 = jax.random.split(key, 3)
    x = jax.random.randint(k1, (BATCH, MAXLEN), 0, VOCAB, dtype=jnp.int64 if jax.config.read('jax_enable_x64') else jnp.int32)
    token_table = jax.random.normal(k2, (VOCAB, EMBED_DIM), dtype=jnp.float32) * 0.02
    pos_table = jax.random.normal(k3, (MAXLEN, EMBED_DIM), dtype=jnp.float32) * 0.02
    return {"x": x, "token_table": token_table, "pos_table": pos_table}

def reference(x, token_table, pos_table):
    maxlen = x.shape[-1]
    positions = jnp.arange(0, maxlen)
    pos = jnp.take(pos_table, positions, axis=0)          # [maxlen, d]
    tok = jnp.take(token_table, x, axis=0)                # [B, maxlen, d]
    return tok + pos[None, :, :]

if __name__ == "__main__":
    import jax
    _d = setup_inputs()
    print(jax.jit(kernel)(*tuple(_d.values())))

</pallas_src>

<mosaic_0001>
#map = affine_map<(d0, d1) -> (0, 0)>
#map1 = affine_map<(d0, d1) -> (0)>
module attributes {stable_mosaic.version = 14 : i64} {
  func.func @_relayout_body(%arg0: i32, %arg1: i32, %arg2: memref<32x1000000xf32, #tpu.memory_space<hbm>>, %arg3: memref<2048xf32, #tpu.memory_space<hbm>>, %arg4: memref<32000000xf32, #tpu.memory_space<hbm>>, %arg5: memref<32x128xf32, #tpu.memory_space<vmem>>, %arg6: memref<8192xf32, #tpu.memory_space<vmem>>, %arg7: memref<!tpu.dma_semaphore, #tpu.memory_space<semaphore_mem>>) attributes {dimension_semantics = [#tpu.dimension_semantics<core_parallel>, #tpu.dimension_semantics<subcore_parallel>], iteration_bounds = array<i64: 2, 16>, scalar_prefetch = 0 : i64, scratch_operands = 3 : i64, tpu.core_type = #tpu.core_type<sc_vector_subcore>, window_params = [{transform_indices = #map}, {transform_indices = #map1}, {transform_indices = #map1}]} {
    %mul3A = arith.constant 2 : i32
    %mul3A_0 = arith.muli %arg1, %mul3A : i32
    %add3A = arith.addi %mul3A_0, %arg0 : i32
    %iota3A = tpu.iota {dimensions = array<i32: 0>} : vector<16xi32>
    %mul3A_1 = arith.constant 245 : i32
    %mul3A_2 = arith.muli %add3A, %mul3A_1 : i32
    %sub3A = arith.constant 7812 : i32
    %sub3A_3 = arith.subi %sub3A, %mul3A_2 : i32
    %min3A = arith.constant 245 : i32
    %min3A_4 = arith.minsi %min3A, %sub3A_3 : i32
    %while3A = arith.constant 0 : i32
    %while3A_5 = arith.constant 0 : i32
    %while3A_6 = arith.subi %min3A_4, %while3A_5 : i32
    %while3A_7 = arith.addi %while3A_5, %while3A_6 : i32
    %while3A_8 = arith.constant 1 : i32
    %while3A_9 = arith.divsi %while3A_6, %while3A_8 : i32
    %while3A_10 = arith.muli %while3A_9, %while3A_8 : i32
    %while3A_11 = arith.addi %while3A_5, %while3A_10 : i32
    %while3A_12 = arith.constant 1 : i32
    scf.for %while3A_31 = %while3A_5 to %while3A_11 step %while3A_12  : i32 {
      %add3A_32 = arith.addi %mul3A_2, %while3A_31 : i32
      %rem3A = arith.constant 2 : i32
      %rem3A_33 = arith.remsi %while3A_31, %rem3A : i32
      %mul3A_34 = arith.constant 4096 : i32
      %mul3A_35 = arith.muli %rem3A_33, %mul3A_34 : i32
      %mul3A_36 = arith.constant 128 : i32
      %mul3A_37 = arith.muli %add3A_32, %mul3A_36 : i32
      %multiple_of3A = tpu.assume_multiple %mul3A_37, 128 : i32
      "tpu.region"() ({
        %run_scoped3A = tpu.sem_alloc : memref<!tpu.dma_semaphore, #tpu.memory_space<semaphore_mem>>
        %dma_start3A_53 = arith.constant 0 : i32
        %dma_start3A_54 = tpu.memref_slice %arg2[%dma_start3A_53, %multiple_of3A] : memref<32x1000000xf32, #tpu.memory_space<hbm>> -> memref<32x128xf32, #tpu.memory_space<hbm>>
        %dma_start3A_55 = arith.constant 0 : i32
        %dma_start3A_56 = tpu.memref_slice %arg2[%dma_start3A_55, %multiple_of3A] : memref<32x1000000xf32, #tpu.memory_space<hbm>> -> memref<32x128xf32, #tpu.memory_space<hbm>>
        tpu.enqueue_dma source(%dma_start3A_56 : memref<32x128xf32, #tpu.memory_space<hbm>>) target(%arg5 : memref<32x128xf32, #tpu.memory_space<vmem>>) target_semaphore(%run_scoped3A : memref<!tpu.dma_semaphore, #tpu.memory_space<semaphore_mem>>)
        %dma_wait3A_57 = arith.constant 0 : i32
        %dma_wait3A_58 = tpu.memref_slice %arg2[%dma_wait3A_57, %multiple_of3A] : memref<32x1000000xf32, #tpu.memory_space<hbm>> -> memref<32x128xf32, #tpu.memory_space<hbm>>
        %dma_wait3A_59 = arith.constant 0 : i32
        %dma_wait3A_60 = tpu.memref_slice %arg2[%dma_wait3A_59, %multiple_of3A] : memref<32x1000000xf32, #tpu.memory_space<hbm>> -> memref<32x128xf32, #tpu.memory_space<hbm>>
        tpu.wait_dma2 semaphore(%run_scoped3A : memref<!tpu.dma_semaphore, #tpu.memory_space<semaphore_mem>>) src(%dma_wait3A_60 : memref<32x128xf32, #tpu.memory_space<hbm>>) dst(%arg5 : memref<32x128xf32, #tpu.memory_space<vmem>>)
        tpu.yield
      }) : () -> ()
      %ge3A = arith.constant 2 : i32
      %ge3A_38 = arith.cmpi sge, %while3A_31, %ge3A : i32
      %convert_element_type3A_39 = arith.extui %ge3A_38 : i1 to i32
      %cond3A_40 = arith.constant 0 : i32
      %cond3A_41 = arith.cmpi ne, %convert_element_type3A_39, %cond3A_40 : i32
      scf.if %cond3A_41 {
        %dma_wait3A_53 = arith.constant 0 : i32
        %dma_wait3A_54 = tpu.memref_slice %arg6[%dma_wait3A_53] : memref<8192xf32, #tpu.memory_space<vmem>> -> memref<4096xf32, #tpu.memory_space<vmem>>
        %dma_wait3A_55 = arith.constant 0 : i32
        %dma_wait3A_56 = tpu.memref_slice %arg4[%dma_wait3A_55] : memref<32000000xf32, #tpu.memory_space<hbm>> -> memref<4096xf32, #tpu.memory_space<hbm>>
        %dma_wait3A_57 = arith.constant 0 : i32
        %dma_wait3A_58 = tpu.memref_slice %arg4[%dma_wait3A_57] : memref<32000000xf32, #tpu.memory_space<hbm>> -> memref<4096xf32, #tpu.memory_space<hbm>>
        %dma_wait3A_59 = arith.constant 0 : i32
        %dma_wait3A_60 = tpu.memref_slice %arg6[%dma_wait3A_59] : memref<8192xf32, #tpu.memory_space<vmem>> -> memref<4096xf32, #tpu.memory_space<vmem>>
        tpu.wait_dma2 semaphore(%arg7 : memref<!tpu.dma_semaphore, #tpu.memory_space<semaphore_mem>>) src(%dma_wait3A_60 : memref<4096xf32, #tpu.memory_space<vmem>>) dst(%dma_wait3A_58 : memref<4096xf32, #tpu.memory_space<hbm>>)
      } else {
      }
      %scan3A = arith.constant 0 : i32
      %scan3A_42 = arith.constant 0 : i32
      %scan3A_43 = arith.constant 128 : i32
      %scan3A_44 = arith.addi %scan3A_42, %scan3A_43 : i32
      %scan3A_45 = arith.constant 8 : i32
      scf.for %scan3A_53 = %scan3A_42 to %scan3A_44 step %scan3A_45  : i32 {
        %add3A_54 = vector.broadcast %scan3A_53 : i32 to vector<16xi32>
        %add3A_55 = arith.addi %add3A_54, %iota3A : vector<16xi32>
        %rem3A_56 = arith.constant 128 : i32
        %rem3A_57 = vector.broadcast %rem3A_56 : i32 to vector<16xi32>
        %rem3A_58 = arith.remsi %add3A_55, %rem3A_57 : vector<16xi32>
        %gather3A = tpu.vector_load_idx %arg5[%iota3A, %rem3A_58] : memref<32x128xf32, #tpu.memory_space<vmem>>[vector<16xi32>, vector<16xi32>], vector<16xf32>,
        %add3A_59 = arith.constant 16 : i32
        %add3A_60 = vector.broadcast %add3A_59 : i32 to vector<16xi32>
        %add3A_61 = arith.addi %iota3A, %add3A_60 : vector<16xi32>
        %gather3A_62 = tpu.vector_load_idx %arg5[%add3A_61, %rem3A_58] : memref<32x128xf32, #tpu.memory_space<vmem>>[vector<16xi32>, vector<16xi32>], vector<16xf32>,
        %mul3A_63 = arith.constant 32 : i32
        %mul3A_64 = vector.broadcast %mul3A_63 : i32 to vector<16xi32>
        %mul3A_65 = arith.muli %rem3A_58, %mul3A_64 : vector<16xi32>
        %add3A_66 = vector.broadcast %mul3A_35 : i32 to vector<16xi32>
        %add3A_67 = arith.addi %add3A_66, %mul3A_65 : vector<16xi32>
        %add3A_68 = arith.addi %add3A_67, %iota3A : vector<16xi32>
        tpu.vector_store_idx %arg6[%add3A_68], %gather3A : memref<8192xf32, #tpu.memory_space<vmem>>[vector<16xi32>], vector<16xf32>,
        %mul3A_69 = arith.constant 32 : i32
        %mul3A_70 = vector.broadcast %mul3A_69 : i32 to vector<16xi32>
        %mul3A_71 = arith.muli %rem3A_58, %mul3A_70 : vector<16xi32>
        %add3A_72 = vector.broadcast %mul3A_35 : i32 to vector<16xi32>
        %add3A_73 = arith.addi %add3A_72, %mul3A_71 : vector<16xi32>
        %add3A_74 = arith.constant 16 : i32
        %add3A_75 = vector.broadcast %add3A_74 : i32 to vector<16xi32>
        %add3A_76 = arith.addi %add3A_73, %add3A_75 : vector<16xi32>
        %add3A_77 = arith.addi %add3A_76, %iota3A : vector<16xi32>
        tpu.vector_store_idx %arg6[%add3A_77], %gather3A_62 : memref<8192xf32, #tpu.memory_space<vmem>>[vector<16xi32>], vector<16xf32>,
        %scan3A_78 = arith.constant 1 : i32
        %scan3A_79 = arith.addi %scan3A_53, %scan3A_78 : i32
        %add3A_80 = vector.broadcast %scan3A_79 : i32 to vector<16xi32>
        %add3A_81 = arith.addi %add3A_80, %iota3A : vector<16xi32>
        %rem3A_82 = arith.constant 128 : i32
        %rem3A_83 = vector.broadcast %rem3A_82 : i32 to vector<16xi32>
        %rem3A_84 = arith.remsi %add3A_81, %rem3A_83 : vector<16xi32>
        %gather3A_85 = tpu.vector_load_idx %arg5[%iota3A, %rem3A_84] : memref<32x128xf32, #tpu.memory_space<vmem>>[vector<16xi32>, vector<16xi32>], vector<16xf32>,
        %add3A_86 = arith.constant 16 : i32
        %add3A_87 = vector.broadcast %add3A_86 : i32 to vector<16xi32>
        %add3A_88 = arith.addi %iota3A, %add3A_87 : vector<16xi32>
        %gather3A_89 = tpu.vector_load_idx %arg5[%add3A_88, %rem3A_84] : memref<32x128xf32, #tpu.memory_space<vmem>>[vector<16xi32>, vector<16xi32>], vector<16xf32>,
        %mul3A_90 = arith.constant 32 : i32
        %mul3A_91 = vector.broadcast %mul3A_90 : i32 to vector<16xi32>
        %mul3A_92 = arith.muli %rem3A_84, %mul3A_91 : vector<16xi32>
        %add3A_93 = vector.broadcast %mul3A_35 : i32 to vector<16xi32>
        %add3A_94 = arith.addi %add3A_93, %mul3A_92 : vector<16xi32>
        %add3A_95 = arith.addi %add3A_94, %iota3A : vector<16xi32>
        tpu.vector_store_idx %arg6[%add3A_95], %gather3A_85 : memref<8192xf32, #tpu.memory_space<vmem>>[vector<16xi32>], vector<16xf32>,
        %mul3A_96 = arith.constant 32 : i32
        %mul3A_97 = vector.broadcast %mul3A_96 : i32 to vector<16xi32>
        %mul3A_98 = arith.muli %rem3A_84, %mul3A_97 : vector<16xi32>
        %add3A_99 = vector.broadcast %mul3A_35 : i32 to vector<16xi32>
        %add3A_100 = arith.addi %add3A_99, %mul3A_98 : vector<16xi32>
        %add3A_101 = arith.constant 16 : i32
        %add3A_102 = vector.broadcast %add3A_101 : i32 to vector<16xi32>
        %add3A_103 = arith.addi %add3A_100, %add3A_102 : vector<16xi32>
        %add3A_104 = arith.addi %add3A_103, %iota3A : vector<16xi32>
        tpu.vector_store_idx %arg6[%add3A_104], %gather3A_89 : memref<8192xf32, #tpu.memory_space<vmem>>[vector<16xi32>], vector<16xf32>,
        %scan3A_105 = arith.constant 2 : i32
        %scan3A_106 = arith.addi %scan3A_53, %scan3A_105 : i32
        %add3A_107 = vector.broadcast %scan3A_106 : i32 to vector<16xi32>
        %add3A_108 = arith.addi %add3A_107, %iota3A : vector<16xi32>
        %rem3A_109 = arith.constant 128 : i32
        %rem3A_110 = vector.broadcast %rem3A_109 : i32 to vector<16xi32>
        %rem3A_111 = arith.remsi %add3A_108, %rem3A_110 : vector<16xi32>
        %gather3A_112 = tpu.vector_load_idx %arg5[%iota3A, %rem3A_111] : memref<32x128xf32, #tpu.memory_space<vmem>>[vector<16xi32>, vector<16xi32>], vector<16xf32>,
        %add3A_113 = arith.constant 16 : i32
        %add3A_114 = vector.broadcast %add3A_113 : i32 to vector<16xi32>
        %add3A_115 = arith.addi %iota3A, %add3A_114 : vector<16xi32>
        %gather3A_116 = tpu.vector_load_idx %arg5[%add3A_115, %rem3A_111] : memref<32x128xf32, #tpu.memory_space<vmem>>[vector<16xi32>, vector<16xi32>], vector<16xf32>,
        %mul3A_117 = arith.constant 32 : i32
        %mul3A_118 = vector.broadcast %mul3A_117 : i32 to vector<16xi32>
        %mul3A_119 = arith.muli %rem3A_111, %mul3A_118 : vector<16xi32>
        %add3A_120 = vector.broadcast %mul3A_35 : i32 to vector<16xi32>
        %add3A_121 = arith.addi %add3A_120, %mul3A_119 : vector<16xi32>
        %add3A_122 = arith.addi %add3A_121, %iota3A : vector<16xi32>
        tpu.vector_store_idx %arg6[%add3A_122], %gather3A_112 : memref<8192xf32, #tpu.memory_space<vmem>>[vector<16xi32>], vector<16xf32>,
        %mul3A_123 = arith.constant 32 : i32
        %mul3A_124 = vector.broadcast %mul3A_123 : i32 to vector<16xi32>
        %mul3A_125 = arith.muli %rem3A_111, %mul3A_124 : vector<16xi32>
        %add3A_126 = vector.broadcast %mul3A_35 : i32 to vector<16xi32>
        %add3A_127 = arith.addi %add3A_126, %mul3A_125 : vector<16xi32>
        %add3A_128 = arith.constant 16 : i32
        %add3A_129 = vector.broadcast %add3A_128 : i32 to vector<16xi32>
        %add3A_130 = arith.addi %add3A_127, %add3A_129 : vector<16xi32>
        %add3A_131 = arith.addi %add3A_130, %iota3A : vector<16xi32>
        tpu.vector_store_idx %arg6[%add3A_131], %gather3A_116 : memref<8192xf32, #tpu.memory_space<vmem>>[vector<16xi32>], vector<16xf32>,
        %scan3A_132 = arith.constant 3 : i32
        %scan3A_133 = arith.addi %scan3A_53, %scan3A_132 : i32
        %add3A_134 = vector.broadcast %scan3A_133 : i32 to vector<16xi32>
        %add3A_135 = arith.addi %add3A_134, %iota3A : vector<16xi32>
        %rem3A_136 = arith.constant 128 : i32
        %rem3A_137 = vector.broadcast %rem3A_136 : i32 to vector<16xi32>
        %rem3A_138 = arith.remsi %add3A_135, %rem3A_137 : vector<16xi32>
        %gather3A_139 = tpu.vector_load_idx %arg5[%iota3A, %rem3A_138] : memref<32x128xf32, #tpu.memory_space<vmem>>[vector<16xi32>, vector<16xi32>], vector<16xf32>,
        %add3A_140 = arith.constant 16 : i32
        %add3A_141 = vector.broadcast %add3A_140 : i32 to vector<16xi32>
        %add3A_142 = arith.addi %iota3A, %add3A_141 : vector<16xi32>
        %gather3A_143 = tpu.vector_load_idx %arg5[%add3A_142, %rem3A_138] : memref<32x128xf32, #tpu.memory_space<vmem>>[vector<16xi32>, vector<16xi32>], vector<16xf32>,
        %mul3A_144 = arith.constant 32 : i32
        %mul3A_145 = vector.broadcast %mul3A_144 : i32 to vector<16xi32>
        %mul3A_146 = arith.muli %rem3A_138, %mul3A_145 : vector<16xi32>
        %add3A_147 = vector.broadcast %mul3A_35 : i32 to vector<16xi32>
        %add3A_148 = arith.addi %add3A_147, %mul3A_146 : vector<16xi32>
        %add3A_149 = arith.addi %add3A_148, %iota3A : vector<16xi32>
        tpu.vector_store_idx %arg6[%add3A_149], %gather3A_139 : memref<8192xf32, #tpu.memory_space<vmem>>[vector<16xi32>], vector<16xf32>,
        %mul3A_150 = arith.constant 32 : i32
        %mul3A_151 = vector.broadcast %mul3A_150 : i32 to vector<16xi32>
        %mul3A_152 = arith.muli %rem3A_138, %mul3A_151 : vector<16xi32>
        %add3A_153 = vector.broadcast %mul3A_35 : i32 to vector<16xi32>
        %add3A_154 = arith.addi %add3A_153, %mul3A_152 : vector<16xi32>
        %add3A_155 = arith.constant 16 : i32
        %add3A_156 = vector.broadcast %add3A_155 : i32 to vector<16xi32>
        %add3A_157 = arith.addi %add3A_154, %add3A_156 : vector<16xi32>
        %add3A_158 = arith.addi %add3A_157, %iota3A : vector<16xi32>
        tpu.vector_store_idx %arg6[%add3A_158], %gather3A_143 : memref<8192xf32, #tpu.memory_space<vmem>>[vector<16xi32>], vector<16xf32>,
        %scan3A_159 = arith.constant 4 : i32
        %scan3A_160 = arith.addi %scan3A_53, %scan3A_159 : i32
        %add3A_161 = vector.broadcast %scan3A_160 : i32 to vector<16xi32>
        %add3A_162 = arith.addi %add3A_161, %iota3A : vector<16xi32>
        %rem3A_163 = arith.constant 128 : i32
        %rem3A_164 = vector.broadcast %rem3A_163 : i32 to vector<16xi32>
        %rem3A_165 = arith.remsi %add3A_162, %rem3A_164 : vector<16xi32>
        %gather3A_166 = tpu.vector_load_idx %arg5[%iota3A, %rem3A_165] : memref<32x128xf32, #tpu.memory_space<vmem>>[vector<16xi32>, vector<16xi32>], vector<16xf32>,
        %add3A_167 = arith.constant 16 : i32
        %add3A_168 = vector.broadcast %add3A_167 : i32 to vector<16xi32>
        %add3A_169 = arith.addi %iota3A, %add3A_168 : vector<16xi32>
        %gather3A_170 = tpu.vector_load_idx %arg5[%add3A_169, %rem3A_165] : memref<32x128xf32, #tpu.memory_space<vmem>>[vector<16xi32>, vector<16xi32>], vector<16xf32>,
        %mul3A_171 = arith.constant 32 : i32
        %mul3A_172 = vector.broadcast %mul3A_171 : i32 to vector<16xi32>
        %mul3A_173 = arith.muli %rem3A_165, %mul3A_172 : vector<16xi32>
        %add3A_174 = vector.broadcast %mul3A_35 : i32 to vector<16xi32>
        %add3A_175 = arith.addi %add3A_174, %mul3A_173 : vector<16xi32>
        %add3A_176 = arith.addi %add3A_175, %iota3A : vector<16xi32>
        tpu.vector_store_idx %arg6[%add3A_176], %gather3A_166 : memref<8192xf32, #tpu.memory_space<vmem>>[vector<16xi32>], vector<16xf32>,
        %mul3A_177 = arith.constant 32 : i32
        %mul3A_178 = vector.broadcast %mul3A_177 : i32 to vector<16xi32>
        %mul3A_179 = arith.muli %rem3A_165, %mul3A_178 : vector<16xi32>
        %add3A_180 = vector.broadcast %mul3A_35 : i32 to vector<16xi32>
        %add3A_181 = arith.addi %add3A_180, %mul3A_179 : vector<16xi32>
        %add3A_182 = arith.constant 16 : i32
        %add3A_183 = vector.broadcast %add3A_182 : i32 to vector<16xi32>
        %add3A_184 = arith.addi %add3A_181, %add3A_183 : vector<16xi32>
        %add3A_185 = arith.addi %add3A_184, %iota3A : vector<16xi32>
        tpu.vector_store_idx %arg6[%add3A_185], %gather3A_170 : memref<8192xf32, #tpu.memory_space<vmem>>[vector<16xi32>], vector<16xf32>,
        %scan3A_186 = arith.constant 5 : i32
        %scan3A_187 = arith.addi %scan3A_53, %scan3A_186 : i32
        %add3A_188 = vector.broadcast %scan3A_187 : i32 to vector<16xi32>
        %add3A_189 = arith.addi %add3A_188, %iota3A : vector<16xi32>
        %rem3A_190 = arith.constant 128 : i32
        %rem3A_191 = vector.broadcast %rem3A_190 : i32 to vector<16xi32>
        %rem3A_192 = arith.remsi %add3A_189, %rem3A_191 : vector<16xi32>
        %gather3A_193 = tpu.vector_load_idx %arg5[%iota3A, %rem3A_192] : memref<32x128xf32, #tpu.memory_space<vmem>>[vector<16xi32>, vector<16xi32>], vector<16xf32>,
        %add3A_194 = arith.constant 16 : i32
        %add3A_195 = vector.broadcast %add3A_194 : i32 to vector<16xi32>
        %add3A_196 = arith.addi %iota3A, %add3A_195 : vector<16xi32>
        %gather3A_197 = tpu.vector_load_idx %arg5[%add3A_196, %rem3A_192] : memref<32x128xf32, #tpu.memory_space<vmem>>[vector<16xi32>, vector<16xi32>], vector<16xf32>,
        %mul3A_198 = arith.constant 32 : i32
        %mul3A_199 = vector.broadcast %mul3A_198 : i32 to vector<16xi32>
        %mul3A_200 = arith.muli %rem3A_192, %mul3A_199 : vector<16xi32>
        %add3A_201 = vector.broadcast %mul3A_35 : i32 to vector<16xi32>
        %add3A_202 = arith.addi %add3A_201, %mul3A_200 : vector<16xi32>
        %add3A_203 = arith.addi %add3A_202, %iota3A : vector<16xi32>
        tpu.vector_store_idx %arg6[%add3A_203], %gather3A_193 : memref<8192xf32, #tpu.memory_space<vmem>>[vector<16xi32>], vector<16xf32>,
        %mul3A_204 = arith.constant 32 : i32
        %mul3A_205 = vector.broadcast %mul3A_204 : i32 to vector<16xi32>
        %mul3A_206 = arith.muli %rem3A_192, %mul3A_205 : vector<16xi32>
        %add3A_207 = vector.broadcast %mul3A_35 : i32 to vector<16xi32>
        %add3A_208 = arith.addi %add3A_207, %mul3A_206 : vector<16xi32>
        %add3A_209 = arith.constant 16 : i32
        %add3A_210 = vector.broadcast %add3A_209 : i32 to vector<16xi32>
        %add3A_211 = arith.addi %add3A_208, %add3A_210 : vector<16xi32>
        %add3A_212 = arith.addi %add3A_211, %iota3A : vector<16xi32>
        tpu.vector_store_idx %arg6[%add3A_212], %gather3A_197 : memref<8192xf32, #tpu.memory_space<vmem>>[vector<16xi32>], vector<16xf32>,
        %scan3A_213 = arith.constant 6 : i32
        %scan3A_214 = arith.addi %scan3A_53, %scan3A_213 : i32
        %add3A_215 = vector.broadcast %scan3A_214 : i32 to vector<16xi32>
        %add3A_216 = arith.addi %add3A_215, %iota3A : vector<16xi32>
        %rem3A_217 = arith.constant 128 : i32
        %rem3A_218 = vector.broadcast %rem3A_217 : i32 to vector<16xi32>
        %rem3A_219 = arith.remsi %add3A_216, %rem3A_218 : vector<16xi32>
        %gather3A_220 = tpu.vector_load_idx %arg5[%iota3A, %rem3A_219] : memref<32x128xf32, #tpu.memory_space<vmem>>[vector<16xi32>, vector<16xi32>], vector<16xf32>,
        %add3A_221 = arith.constant 16 : i32
        %add3A_222 = vector.broadcast %add3A_221 : i32 to vector<16xi32>
        %add3A_223 = arith.addi %iota3A, %add3A_222 : vector<16xi32>
        %gather3A_224 = tpu.vector_load_idx %arg5[%add3A_223, %rem3A_219] : memref<32x128xf32, #tpu.memory_space<vmem>>[vector<16xi32>, vector<16xi32>], vector<16xf32>,
        %mul3A_225 = arith.constant 32 : i32
        %mul3A_226 = vector.broadcast %mul3A_225 : i32 to vector<16xi32>
        %mul3A_227 = arith.muli %rem3A_219, %mul3A_226 : vector<16xi32>
        %add3A_228 = vector.broadcast %mul3A_35 : i32 to vector<16xi32>
        %add3A_229 = arith.addi %add3A_228, %mul3A_227 : vector<16xi32>
        %add3A_230 = arith.addi %add3A_229, %iota3A : vector<16xi32>
        tpu.vector_store_idx %arg6[%add3A_230], %gather3A_220 : memref<8192xf32, #tpu.memory_space<vmem>>[vector<16xi32>], vector<16xf32>,
        %mul3A_231 = arith.constant 32 : i32
        %mul3A_232 = vector.broadcast %mul3A_231 : i32 to vector<16xi32>
        %mul3A_233 = arith.muli %rem3A_219, %mul3A_232 : vector<16xi32>
        %add3A_234 = vector.broadcast %mul3A_35 : i32 to vector<16xi32>
        %add3A_235 = arith.addi %add3A_234, %mul3A_233 : vector<16xi32>
        %add3A_236 = arith.constant 16 : i32
        %add3A_237 = vector.broadcast %add3A_236 : i32 to vector<16xi32>
        %add3A_238 = arith.addi %add3A_235, %add3A_237 : vector<16xi32>
        %add3A_239 = arith.addi %add3A_238, %iota3A : vector<16xi32>
        tpu.vector_store_idx %arg6[%add3A_239], %gather3A_224 : memref<8192xf32, #tpu.memory_space<vmem>>[vector<16xi32>], vector<16xf32>,
        %scan3A_240 = arith.constant 7 : i32
        %scan3A_241 = arith.addi %scan3A_53, %scan3A_240 : i32
        %add3A_242 = vector.broadcast %scan3A_241 : i32 to vector<16xi32>
        %add3A_243 = arith.addi %add3A_242, %iota3A : vector<16xi32>
        %rem3A_244 = arith.constant 128 : i32
        %rem3A_245 = vector.broadcast %rem3A_244 : i32 to vector<16xi32>
        %rem3A_246 = arith.remsi %add3A_243, %rem3A_245 : vector<16xi32>
        %gather3A_247 = tpu.vector_load_idx %arg5[%iota3A, %rem3A_246] : memref<32x128xf32, #tpu.memory_space<vmem>>[vector<16xi32>, vector<16xi32>], vector<16xf32>,
        %add3A_248 = arith.constant 16 : i32
        %add3A_249 = vector.broadcast %add3A_248 : i32 to vector<16xi32>
        %add3A_250 = arith.addi %iota3A, %add3A_249 : vector<16xi32>
        %gather3A_251 = tpu.vector_load_idx %arg5[%add3A_250, %rem3A_246] : memref<32x128xf32, #tpu.memory_space<vmem>>[vector<16xi32>, vector<16xi32>], vector<16xf32>,
        %mul3A_252 = arith.constant 32 : i32
        %mul3A_253 = vector.broadcast %mul3A_252 : i32 to vector<16xi32>
        %mul3A_254 = arith.muli %rem3A_246, %mul3A_253 : vector<16xi32>
        %add3A_255 = vector.broadcast %mul3A_35 : i32 to vector<16xi32>
        %add3A_256 = arith.addi %add3A_255, %mul3A_254 : vector<16xi32>
        %add3A_257 = arith.addi %add3A_256, %iota3A : vector<16xi32>
        tpu.vector_store_idx %arg6[%add3A_257], %gather3A_247 : memref<8192xf32, #tpu.memory_space<vmem>>[vector<16xi32>], vector<16xf32>,
        %mul3A_258 = arith.constant 32 : i32
        %mul3A_259 = vector.broadcast %mul3A_258 : i32 to vector<16xi32>
        %mul3A_260 = arith.muli %rem3A_246, %mul3A_259 : vector<16xi32>
        %add3A_261 = vector.broadcast %mul3A_35 : i32 to vector<16xi32>
        %add3A_262 = arith.addi %add3A_261, %mul3A_260 : vector<16xi32>
        %add3A_263 = arith.constant 16 : i32
        %add3A_264 = vector.broadcast %add3A_263 : i32 to vector<16xi32>
        %add3A_265 = arith.addi %add3A_262, %add3A_264 : vector<16xi32>
        %add3A_266 = arith.addi %add3A_265, %iota3A : vector<16xi32>
        tpu.vector_store_idx %arg6[%add3A_266], %gather3A_251 : memref<8192xf32, #tpu.memory_space<vmem>>[vector<16xi32>], vector<16xf32>,
      }
      %scan3A_46 = arith.constant 128 : i32
      %multiple_of3A_47 = tpu.assume_multiple %mul3A_35, 4096 : i32
      %mul3A_48 = arith.constant 32 : i32
      %mul3A_49 = arith.muli %multiple_of3A, %mul3A_48 : i32
      %dma_start3A = tpu.memref_slice %arg6[%multiple_of3A_47] : memref<8192xf32, #tpu.memory_space<vmem>> -> memref<4096xf32, #tpu.memory_space<vmem>>
      %dma_start3A_50 = tpu.memref_slice %arg4[%mul3A_49] : memref<32000000xf32, #tpu.memory_space<hbm>> -> memref<4096xf32, #tpu.memory_space<hbm>>
      %dma_start3A_51 = tpu.memref_slice %arg4[%mul3A_49] : memref<32000000xf32, #tpu.memory_space<hbm>> -> memref<4096xf32, #tpu.memory_space<hbm>>
      %dma_start3A_52 = tpu.memref_slice %arg6[%multiple_of3A_47] : memref<8192xf32, #tpu.memory_space<vmem>> -> memref<4096xf32, #tpu.memory_space<vmem>>
      tpu.enqueue_dma source(%dma_start3A_52 : memref<4096xf32, #tpu.memory_space<vmem>>) target(%dma_start3A_51 : memref<4096xf32, #tpu.memory_space<hbm>>) target_semaphore(%arg7 : memref<!tpu.dma_semaphore, #tpu.memory_space<semaphore_mem>>)
    }
    %while3A_13 = arith.constant 1 : i32
    scf.for %while3A_31 = %while3A_11 to %while3A_7 step %while3A_13  : i32 {
      %add3A_32 = arith.addi %mul3A_2, %while3A_31 : i32
      %rem3A = arith.constant 2 : i32
      %rem3A_33 = arith.remsi %while3A_31, %rem3A : i32
      %mul3A_34 = arith.constant 4096 : i32
      %mul3A_35 = arith.muli %rem3A_33, %mul3A_34 : i32
      %mul3A_36 = arith.constant 128 : i32
      %mul3A_37 = arith.muli %add3A_32, %mul3A_36 : i32
      %multiple_of3A = tpu.assume_multiple %mul3A_37, 128 : i32
      "tpu.region"() ({
        %run_scoped3A = tpu.sem_alloc : memref<!tpu.dma_semaphore, #tpu.memory_space<semaphore_mem>>
        %dma_start3A_53 = arith.constant 0 : i32
        %dma_start3A_54 = tpu.memref_slice %arg2[%dma_start3A_53, %multiple_of3A] : memref<32x1000000xf32, #tpu.memory_space<hbm>> -> memref<32x128xf32, #tpu.memory_space<hbm>>
        %dma_start3A_55 = arith.constant 0 : i32
        %dma_start3A_56 = tpu.memref_slice %arg2[%dma_start3A_55, %multiple_of3A] : memref<32x1000000xf32, #tpu.memory_space<hbm>> -> memref<32x128xf32, #tpu.memory_space<hbm>>
        tpu.enqueue_dma source(%dma_start3A_56 : memref<32x128xf32, #tpu.memory_space<hbm>>) target(%arg5 : memref<32x128xf32, #tpu.memory_space<vmem>>) target_semaphore(%run_scoped3A : memref<!tpu.dma_semaphore, #tpu.memory_space<semaphore_mem>>)
        %dma_wait3A_57 = arith.constant 0 : i32
        %dma_wait3A_58 = tpu.memref_slice %arg2[%dma_wait3A_57, %multiple_of3A] : memref<32x1000000xf32, #tpu.memory_space<hbm>> -> memref<32x128xf32, #tpu.memory_space<hbm>>
        %dma_wait3A_59 = arith.constant 0 : i32
        %dma_wait3A_60 = tpu.memref_slice %arg2[%dma_wait3A_59, %multiple_of3A] : memref<32x1000000xf32, #tpu.memory_space<hbm>> -> memref<32x128xf32, #tpu.memory_space<hbm>>
        tpu.wait_dma2 semaphore(%run_scoped3A : memref<!tpu.dma_semaphore, #tpu.memory_space<semaphore_mem>>) src(%dma_wait3A_60 : memref<32x128xf32, #tpu.memory_space<hbm>>) dst(%arg5 : memref<32x128xf32, #tpu.memory_space<vmem>>)
        tpu.yield
      }) : () -> ()
      %ge3A = arith.constant 2 : i32
      %ge3A_38 = arith.cmpi sge, %while3A_31, %ge3A : i32
      %convert_element_type3A_39 = arith.extui %ge3A_38 : i1 to i32
      %cond3A_40 = arith.constant 0 : i32
      %cond3A_41 = arith.cmpi ne, %convert_element_type3A_39, %cond3A_40 : i32
      scf.if %cond3A_41 {
        %dma_wait3A_53 = arith.constant 0 : i32
        %dma_wait3A_54 = tpu.memref_slice %arg6[%dma_wait3A_53] : memref<8192xf32, #tpu.memory_space<vmem>> -> memref<4096xf32, #tpu.memory_space<vmem>>
        %dma_wait3A_55 = arith.constant 0 : i32
        %dma_wait3A_56 = tpu.memref_slice %arg4[%dma_wait3A_55] : memref<32000000xf32, #tpu.memory_space<hbm>> -> memref<4096xf32, #tpu.memory_space<hbm>>
        %dma_wait3A_57 = arith.constant 0 : i32
        %dma_wait3A_58 = tpu.memref_slice %arg4[%dma_wait3A_57] : memref<32000000xf32, #tpu.memory_space<hbm>> -> memref<4096xf32, #tpu.memory_space<hbm>>
        %dma_wait3A_59 = arith.constant 0 : i32
        %dma_wait3A_60 = tpu.memref_slice %arg6[%dma_wait3A_59] : memref<8192xf32, #tpu.memory_space<vmem>> -> memref<4096xf32, #tpu.memory_space<vmem>>
        tpu.wait_dma2 semaphore(%arg7 : memref<!tpu.dma_semaphore, #tpu.memory_space<semaphore_mem>>) src(%dma_wait3A_60 : memref<4096xf32, #tpu.memory_space<vmem>>) dst(%dma_wait3A_58 : memref<4096xf32, #tpu.memory_space<hbm>>)
      } else {
      }
      %scan3A = arith.constant 0 : i32
      %scan3A_42 = arith.constant 0 : i32
      %scan3A_43 = arith.constant 128 : i32
      %scan3A_44 = arith.addi %scan3A_42, %scan3A_43 : i32
      %scan3A_45 = arith.constant 8 : i32
      scf.for %scan3A_53 = %scan3A_42 to %scan3A_44 step %scan3A_45  : i32 {
        %add3A_54 = vector.broadcast %scan3A_53 : i32 to vector<16xi32>
        %add3A_55 = arith.addi %add3A_54, %iota3A : vector<16xi32>
        %rem3A_56 = arith.constant 128 : i32
        %rem3A_57 = vector.broadcast %rem3A_56 : i32 to vector<16xi32>
        %rem3A_58 = arith.remsi %add3A_55, %rem3A_57 : vector<16xi32>
        %gather3A = tpu.vector_load_idx %arg5[%iota3A, %rem3A_58] : memref<32x128xf32, #tpu.memory_space<vmem>>[vector<16xi32>, vector<16xi32>], vector<16xf32>,
        %add3A_59 = arith.constant 16 : i32
        %add3A_60 = vector.broadcast %add3A_59 : i32 to vector<16xi32>
        %add3A_61 = arith.addi %iota3A, %add3A_60 : vector<16xi32>
        %gather3A_62 = tpu.vector_load_idx %arg5[%add3A_61, %rem3A_58] : memref<32x128xf32, #tpu.memory_space<vmem>>[vector<16xi32>, vector<16xi32>], vector<16xf32>,
        %mul3A_63 = arith.constant 32 : i32
        %mul3A_64 = vector.broadcast %mul3A_63 : i32 to vector<16xi32>
        %mul3A_65 = arith.muli %rem3A_58, %mul3A_64 : vector<16xi32>
        %add3A_66 = vector.broadcast %mul3A_35 : i32 to vector<16xi32>
        %add3A_67 = arith.addi %add3A_66, %mul3A_65 : vector<16xi32>
        %add3A_68 = arith.addi %add3A_67, %iota3A : vector<16xi32>
        tpu.vector_store_idx %arg6[%add3A_68], %gather3A : memref<8192xf32, #tpu.memory_space<vmem>>[vector<16xi32>], vector<16xf32>,
        %mul3A_69 = arith.constant 32 : i32
        %mul3A_70 = vector.broadcast %mul3A_69 : i32 to vector<16xi32>
        %mul3A_71 = arith.muli %rem3A_58, %mul3A_70 : vector<16xi32>
        %add3A_72 = vector.broadcast %mul3A_35 : i32 to vector<16xi32>
        %add3A_73 = arith.addi %add3A_72, %mul3A_71 : vector<16xi32>
        %add3A_74 = arith.constant 16 : i32
        %add3A_75 = vector.broadcast %add3A_74 : i32 to vector<16xi32>
        %add3A_76 = arith.addi %add3A_73, %add3A_75 : vector<16xi32>
        %add3A_77 = arith.addi %add3A_76, %iota3A : vector<16xi32>
        tpu.vector_store_idx %arg6[%add3A_77], %gather3A_62 : memref<8192xf32, #tpu.memory_space<vmem>>[vector<16xi32>], vector<16xf32>,
        %scan3A_78 = arith.constant 1 : i32
        %scan3A_79 = arith.addi %scan3A_53, %scan3A_78 : i32
        %add3A_80 = vector.broadcast %scan3A_79 : i32 to vector<16xi32>
        %add3A_81 = arith.addi %add3A_80, %iota3A : vector<16xi32>
        %rem3A_82 = arith.constant 128 : i32
        %rem3A_83 = vector.broadcast %rem3A_82 : i32 to vector<16xi32>
        %rem3A_84 = arith.remsi %add3A_81, %rem3A_83 : vector<16xi32>
        %gather3A_85 = tpu.vector_load_idx %arg5[%iota3A, %rem3A_84] : memref<32x128xf32, #tpu.memory_space<vmem>>[vector<16xi32>, vector<16xi32>], vector<16xf32>,
        %add3A_86 = arith.constant 16 : i32
        %add3A_87 = vector.broadcast %add3A_86 : i32 to vector<16xi32>
        %add3A_88 = arith.addi %iota3A, %add3A_87 : vector<16xi32>
        %gather3A_89 = tpu.vector_load_idx %arg5[%add3A_88, %rem3A_84] : memref<32x128xf32, #tpu.memory_space<vmem>>[vector<16xi32>, vector<16xi32>], vector<16xf32>,
        %mul3A_90 = arith.constant 32 : i32
        %mul3A_91 = vector.broadcast %mul3A_90 : i32 to vector<16xi32>
        %mul3A_92 = arith.muli %rem3A_84, %mul3A_91 : vector<16xi32>
        %add3A_93 = vector.broadcast %mul3A_35 : i32 to vector<16xi32>
        %add3A_94 = arith.addi %add3A_93, %mul3A_92 : vector<16xi32>
        %add3A_95 = arith.addi %add3A_94, %iota3A : vector<16xi32>
        tpu.vector_store_idx %arg6[%add3A_95], %gather3A_85 : memref<8192xf32, #tpu.memory_space<vmem>>[vector<16xi32>], vector<16xf32>,
        %mul3A_96 = arith.constant 32 : i32
        %mul3A_97 = vector.broadcast %mul3A_96 : i32 to vector<16xi32>
        %mul3A_98 = arith.muli %rem3A_84, %mul3A_97 : vector<16xi32>
        %add3A_99 = vector.broadcast %mul3A_35 : i32 to vector<16xi32>
        %add3A_100 = arith.addi %add3A_99, %mul3A_98 : vector<16xi32>
        %add3A_101 = arith.constant 16 : i32
        %add3A_102 = vector.broadcast %add3A_101 : i32 to vector<16xi32>
        %add3A_103 = arith.addi %add3A_100, %add3A_102 : vector<16xi32>
        %add3A_104 = arith.addi %add3A_103, %iota3A : vector<16xi32>
        tpu.vector_store_idx %arg6[%add3A_104], %gather3A_89 : memref<8192xf32, #tpu.memory_space<vmem>>[vector<16xi32>], vector<16xf32>,
        %scan3A_105 = arith.constant 2 : i32
        %scan3A_106 = arith.addi %scan3A_53, %scan3A_105 : i32
        %add3A_107 = vector.broadcast %scan3A_106 : i32 to vector<16xi32>
        %add3A_108 = arith.addi %add3A_107, %iota3A : vector<16xi32>
        %rem3A_109 = arith.constant 128 : i32
        %rem3A_110 = vector.broadcast %rem3A_109 : i32 to vector<16xi32>
        %rem3A_111 = arith.remsi %add3A_108, %rem3A_110 : vector<16xi32>
        %gather3A_112 = tpu.vector_load_idx %arg5[%iota3A, %rem3A_111] : memref<32x128xf32, #tpu.memory_space<vmem>>[vector<16xi32>, vector<16xi32>], vector<16xf32>,
        %add3A_113 = arith.constant 16 : i32
        %add3A_114 = vector.broadcast %add3A_113 : i32 to vector<16xi32>
        %add3A_115 = arith.addi %iota3A, %add3A_114 : vector<16xi32>
        %gather3A_116 = tpu.vector_load_idx %arg5[%add3A_115, %rem3A_111] : memref<32x128xf32, #tpu.memory_space<vmem>>[vector<16xi32>, vector<16xi32>], vector<16xf32>,
        %mul3A_117 = arith.constant 32 : i32
        %mul3A_118 = vector.broadcast %mul3A_117 : i32 to vector<16xi32>
        %mul3A_119 = arith.muli %rem3A_111, %mul3A_118 : vector<16xi32>
        %add3A_120 = vector.broadcast %mul3A_35 : i32 to vector<16xi32>
        %add3A_121 = arith.addi %add3A_120, %mul3A_119 : vector<16xi32>
        %add3A_122 = arith.addi %add3A_121, %iota3A : vector<16xi32>
        tpu.vector_store_idx %arg6[%add3A_122], %gather3A_112 : memref<8192xf32, #tpu.memory_space<vmem>>[vector<16xi32>], vector<16xf32>,
        %mul3A_123 = arith.constant 32 : i32
        %mul3A_124 = vector.broadcast %mul3A_123 : i32 to vector<16xi32>
        %mul3A_125 = arith.muli %rem3A_111, %mul3A_124 : vector<16xi32>
        %add3A_126 = vector.broadcast %mul3A_35 : i32 to vector<16xi32>
        %add3A_127 = arith.addi %add3A_126, %mul3A_125 : vector<16xi32>
        %add3A_128 = arith.constant 16 : i32
        %add3A_129 = vector.broadcast %add3A_128 : i32 to vector<16xi32>
        %add3A_130 = arith.addi %add3A_127, %add3A_129 : vector<16xi32>
        %add3A_131 = arith.addi %add3A_130, %iota3A : vector<16xi32>
        tpu.vector_store_idx %arg6[%add3A_131], %gather3A_116 : memref<8192xf32, #tpu.memory_space<vmem>>[vector<16xi32>], vector<16xf32>,
        %scan3A_132 = arith.constant 3 : i32
        %scan3A_133 = arith.addi %scan3A_53, %scan3A_132 : i32
        %add3A_134 = vector.broadcast %scan3A_133 : i32 to vector<16xi32>
        %add3A_135 = arith.addi %add3A_134, %iota3A : vector<16xi32>
        %rem3A_136 = arith.constant 128 : i32
        %rem3A_137 = vector.broadcast %rem3A_136 : i32 to vector<16xi32>
        %rem3A_138 = arith.remsi %add3A_135, %rem3A_137 : vector<16xi32>
        %gather3A_139 = tpu.vector_load_idx %arg5[%iota3A, %rem3A_138] : memref<32x128xf32, #tpu.memory_space<vmem>>[vector<16xi32>, vector<16xi32>], vector<16xf32>,
        %add3A_140 = arith.constant 16 : i32
        %add3A_141 = vector.broadcast %add3A_140 : i32 to vector<16xi32>
        %add3A_142 = arith.addi %iota3A, %add3A_141 : vector<16xi32>
        %gather3A_143 = tpu.vector_load_idx %arg5[%add3A_142, %rem3A_138] : memref<32x128xf32, #tpu.memory_space<vmem>>[vector<16xi32>, vector<16xi32>], vector<16xf32>,
        %mul3A_144 = arith.constant 32 : i32
        %mul3A_145 = vector.broadcast %mul3A_144 : i32 to vector<16xi32>
        %mul3A_146 = arith.muli %rem3A_138, %mul3A_145 : vector<16xi32>
        %add3A_147 = vector.broadcast %mul3A_35 : i32 to vector<16xi32>
        %add3A_148 = arith.addi %add3A_147, %mul3A_146 : vector<16xi32>
        %add3A_149 = arith.addi %add3A_148, %iota3A : vector<16xi32>
        tpu.vector_store_idx %arg6[%add3A_149], %gather3A_139 : memref<8192xf32, #tpu.memory_space<vmem>>[vector<16xi32>], vector<16xf32>,
        %mul3A_150 = arith.constant 32 : i32
        %mul3A_151 = vector.broadcast %mul3A_150 : i32 to vector<16xi32>
        %mul3A_152 = arith.muli %rem3A_138, %mul3A_151 : vector<16xi32>
        %add3A_153 = vector.broadcast %mul3A_35 : i32 to vector<16xi32>
        %add3A_154 = arith.addi %add3A_153, %mul3A_152 : vector<16xi32>
        %add3A_155 = arith.constant 16 : i32
        %add3A_156 = vector.broadcast %add3A_155 : i32 to vector<16xi32>
        %add3A_157 = arith.addi %add3A_154, %add3A_156 : vector<16xi32>
        %add3A_158 = arith.addi %add3A_157, %iota3A : vector<16xi32>
        tpu.vector_store_idx %arg6[%add3A_158], %gather3A_143 : memref<8192xf32, #tpu.memory_space<vmem>>[vector<16xi32>], vector<16xf32>,
        %scan3A_159 = arith.constant 4 : i32
        %scan3A_160 = arith.addi %scan3A_53, %scan3A_159 : i32
        %add3A_161 = vector.broadcast %scan3A_160 : i32 to vector<16xi32>
        %add3A_162 = arith.addi %add3A_161, %iota3A : vector<16xi32>
        %rem3A_163 = arith.constant 128 : i32
        %rem3A_164 = vector.broadcast %rem3A_163 : i32 to vector<16xi32>
        %rem3A_165 = arith.remsi %add3A_162, %rem3A_164 : vector<16xi32>
        %gather3A_166 = tpu.vector_load_idx %arg5[%iota3A, %rem3A_165] : memref<32x128xf32, #tpu.memory_space<vmem>>[vector<16xi32>, vector<16xi32>], vector<16xf32>,
        %add3A_167 = arith.constant 16 : i32
        %add3A_168 = vector.broadcast %add3A_167 : i32 to vector<16xi32>
        %add3A_169 = arith.addi %iota3A, %add3A_168 : vector<16xi32>
        %gather3A_170 = tpu.vector_load_idx %arg5[%add3A_169, %rem3A_165] : memref<32x128xf32, #tpu.memory_space<vmem>>[vector<16xi32>, vector<16xi32>], vector<16xf32>,
        %mul3A_171 = arith.constant 32 : i32
        %mul3A_172 = vector.broadcast %mul3A_171 : i32 to vector<16xi32>
        %mul3A_173 = arith.muli %rem3A_165, %mul3A_172 : vector<16xi32>
        %add3A_174 = vector.broadcast %mul3A_35 : i32 to vector<16xi32>
        %add3A_175 = arith.addi %add3A_174, %mul3A_173 : vector<16xi32>
        %add3A_176 = arith.addi %add3A_175, %iota3A : vector<16xi32>
        tpu.vector_store_idx %arg6[%add3A_176], %gather3A_166 : memref<8192xf32, #tpu.memory_space<vmem>>[vector<16xi32>], vector<16xf32>,
        %mul3A_177 = arith.constant 32 : i32
        %mul3A_178 = vector.broadcast %mul3A_177 : i32 to vector<16xi32>
        %mul3A_179 = arith.muli %rem3A_165, %mul3A_178 : vector<16xi32>
        %add3A_180 = vector.broadcast %mul3A_35 : i32 to vector<16xi32>
        %add3A_181 = arith.addi %add3A_180, %mul3A_179 : vector<16xi32>
        %add3A_182 = arith.constant 16 : i32
        %add3A_183 = vector.broadcast %add3A_182 : i32 to vector<16xi32>
        %add3A_184 = arith.addi %add3A_181, %add3A_183 : vector<16xi32>
        %add3A_185 = arith.addi %add3A_184, %iota3A : vector<16xi32>
        tpu.vector_store_idx %arg6[%add3A_185], %gather3A_170 : memref<8192xf32, #tpu.memory_space<vmem>>[vector<16xi32>], vector<16xf32>,
        %scan3A_186 = arith.constant 5 : i32
        %scan3A_187 = arith.addi %scan3A_53, %scan3A_186 : i32
        %add3A_188 = vector.broadcast %scan3A_187 : i32 to vector<16xi32>
        %add3A_189 = arith.addi %add3A_188, %iota3A : vector<16xi32>
        %rem3A_190 = arith.constant 128 : i32
        %rem3A_191 = vector.broadcast %rem3A_190 : i32 to vector<16xi32>
        %rem3A_192 = arith.remsi %add3A_189, %rem3A_191 : vector<16xi32>
        %gather3A_193 = tpu.vector_load_idx %arg5[%iota3A, %rem3A_192] : memref<32x128xf32, #tpu.memory_space<vmem>>[vector<16xi32>, vector<16xi32>], vector<16xf32>,
        %add3A_194 = arith.constant 16 : i32
        %add3A_195 = vector.broadcast %add3A_194 : i32 to vector<16xi32>
        %add3A_196 = arith.addi %iota3A, %add3A_195 : vector<16xi32>
        %gather3A_197 = tpu.vector_load_idx %arg5[%add3A_196, %rem3A_192] : memref<32x128xf32, #tpu.memory_space<vmem>>[vector<16xi32>, vector<16xi32>], vector<16xf32>,
        %mul3A_198 = arith.constant 32 : i32
        %mul3A_199 = vector.broadcast %mul3A_198 : i32 to vector<16xi32>
        %mul3A_200 = arith.muli %rem3A_192, %mul3A_199 : vector<16xi32>
        %add3A_201 = vector.broadcast %mul3A_35 : i32 to vector<16xi32>
        %add3A_202 = arith.addi %add3A_201, %mul3A_200 : vector<16xi32>
        %add3A_203 = arith.addi %add3A_202, %iota3A : vector<16xi32>
        tpu.vector_store_idx %arg6[%add3A_203], %gather3A_193 : memref<8192xf32, #tpu.memory_space<vmem>>[vector<16xi32>], vector<16xf32>,
        %mul3A_204 = arith.constant 32 : i32
        %mul3A_205 = vector.broadcast %mul3A_204 : i32 to vector<16xi32>
        %mul3A_206 = arith.muli %rem3A_192, %mul3A_205 : vector<16xi32>
        %add3A_207 = vector.broadcast %mul3A_35 : i32 to vector<16xi32>
        %add3A_208 = arith.addi %add3A_207, %mul3A_206 : vector<16xi32>
        %add3A_209 = arith.constant 16 : i32
        %add3A_210 = vector.broadcast %add3A_209 : i32 to vector<16xi32>
        %add3A_211 = arith.addi %add3A_208, %add3A_210 : vector<16xi32>
        %add3A_212 = arith.addi %add3A_211, %iota3A : vector<16xi32>
        tpu.vector_store_idx %arg6[%add3A_212], %gather3A_197 : memref<8192xf32, #tpu.memory_space<vmem>>[vector<16xi32>], vector<16xf32>,
        %scan3A_213 = arith.constant 6 : i32
        %scan3A_214 = arith.addi %scan3A_53, %scan3A_213 : i32
        %add3A_215 = vector.broadcast %scan3A_214 : i32 to vector<16xi32>
        %add3A_216 = arith.addi %add3A_215, %iota3A : vector<16xi32>
        %rem3A_217 = arith.constant 128 : i32
        %rem3A_218 = vector.broadcast %rem3A_217 : i32 to vector<16xi32>
        %rem3A_219 = arith.remsi %add3A_216, %rem3A_218 : vector<16xi32>
        %gather3A_220 = tpu.vector_load_idx %arg5[%iota3A, %rem3A_219] : memref<32x128xf32, #tpu.memory_space<vmem>>[vector<16xi32>, vector<16xi32>], vector<16xf32>,
        %add3A_221 = arith.constant 16 : i32
        %add3A_222 = vector.broadcast %add3A_221 : i32 to vector<16xi32>
        %add3A_223 = arith.addi %iota3A, %add3A_222 : vector<16xi32>
        %gather3A_224 = tpu.vector_load_idx %arg5[%add3A_223, %rem3A_219] : memref<32x128xf32, #tpu.memory_space<vmem>>[vector<16xi32>, vector<16xi32>], vector<16xf32>,
        %mul3A_225 = arith.constant 32 : i32
        %mul3A_226 = vector.broadcast %mul3A_225 : i32 to vector<16xi32>
        %mul3A_227 = arith.muli %rem3A_219, %mul3A_226 : vector<16xi32>
        %add3A_228 = vector.broadcast %mul3A_35 : i32 to vector<16xi32>
        %add3A_229 = arith.addi %add3A_228, %mul3A_227 : vector<16xi32>
        %add3A_230 = arith.addi %add3A_229, %iota3A : vector<16xi32>
        tpu.vector_store_idx %arg6[%add3A_230], %gather3A_220 : memref<8192xf32, #tpu.memory_space<vmem>>[vector<16xi32>], vector<16xf32>,
        %mul3A_231 = arith.constant 32 : i32
        %mul3A_232 = vector.broadcast %mul3A_231 : i32 to vector<16xi32>
        %mul3A_233 = arith.muli %rem3A_219, %mul3A_232 : vector<16xi32>
        %add3A_234 = vector.broadcast %mul3A_35 : i32 to vector<16xi32>
        %add3A_235 = arith.addi %add3A_234, %mul3A_233 : vector<16xi32>
        %add3A_236 = arith.constant 16 : i32
        %add3A_237 = vector.broadcast %add3A_236 : i32 to vector<16xi32>
        %add3A_238 = arith.addi %add3A_235, %add3A_237 : vector<16xi32>
        %add3A_239 = arith.addi %add3A_238, %iota3A : vector<16xi32>
        tpu.vector_store_idx %arg6[%add3A_239], %gather3A_224 : memref<8192xf32, #tpu.memory_space<vmem>>[vector<16xi32>], vector<16xf32>,
        %scan3A_240 = arith.constant 7 : i32
        %scan3A_241 = arith.addi %scan3A_53, %scan3A_240 : i32
        %add3A_242 = vector.broadcast %scan3A_241 : i32 to vector<16xi32>
        %add3A_243 = arith.addi %add3A_242, %iota3A : vector<16xi32>
        %rem3A_244 = arith.constant 128 : i32
        %rem3A_245 = vector.broadcast %rem3A_244 : i32 to vector<16xi32>
        %rem3A_246 = arith.remsi %add3A_243, %rem3A_245 : vector<16xi32>
        %gather3A_247 = tpu.vector_load_idx %arg5[%iota3A, %rem3A_246] : memref<32x128xf32, #tpu.memory_space<vmem>>[vector<16xi32>, vector<16xi32>], vector<16xf32>,
        %add3A_248 = arith.constant 16 : i32
        %add3A_249 = vector.broadcast %add3A_248 : i32 to vector<16xi32>
        %add3A_250 = arith.addi %iota3A, %add3A_249 : vector<16xi32>
        %gather3A_251 = tpu.vector_load_idx %arg5[%add3A_250, %rem3A_246] : memref<32x128xf32, #tpu.memory_space<vmem>>[vector<16xi32>, vector<16xi32>], vector<16xf32>,
        %mul3A_252 = arith.constant 32 : i32
        %mul3A_253 = vector.broadcast %mul3A_252 : i32 to vector<16xi32>
        %mul3A_254 = arith.muli %rem3A_246, %mul3A_253 : vector<16xi32>
        %add3A_255 = vector.broadcast %mul3A_35 : i32 to vector<16xi32>
        %add3A_256 = arith.addi %add3A_255, %mul3A_254 : vector<16xi32>
        %add3A_257 = arith.addi %add3A_256, %iota3A : vector<16xi32>
        tpu.vector_store_idx %arg6[%add3A_257], %gather3A_247 : memref<8192xf32, #tpu.memory_space<vmem>>[vector<16xi32>], vector<16xf32>,
        %mul3A_258 = arith.constant 32 : i32
        %mul3A_259 = vector.broadcast %mul3A_258 : i32 to vector<16xi32>
        %mul3A_260 = arith.muli %rem3A_246, %mul3A_259 : vector<16xi32>
        %add3A_261 = vector.broadcast %mul3A_35 : i32 to vector<16xi32>
        %add3A_262 = arith.addi %add3A_261, %mul3A_260 : vector<16xi32>
        %add3A_263 = arith.constant 16 : i32
        %add3A_264 = vector.broadcast %add3A_263 : i32 to vector<16xi32>
        %add3A_265 = arith.addi %add3A_262, %add3A_264 : vector<16xi32>
        %add3A_266 = arith.addi %add3A_265, %iota3A : vector<16xi32>
        tpu.vector_store_idx %arg6[%add3A_266], %gather3A_251 : memref<8192xf32, #tpu.memory_space<vmem>>[vector<16xi32>], vector<16xf32>,
      }
      %scan3A_46 = arith.constant 128 : i32
      %multiple_of3A_47 = tpu.assume_multiple %mul3A_35, 4096 : i32
      %mul3A_48 = arith.constant 32 : i32
      %mul3A_49 = arith.muli %multiple_of3A, %mul3A_48 : i32
      %dma_start3A = tpu.memref_slice %arg6[%multiple_of3A_47] : memref<8192xf32, #tpu.memory_space<vmem>> -> memref<4096xf32, #tpu.memory_space<vmem>>
      %dma_start3A_50 = tpu.memref_slice %arg4[%mul3A_49] : memref<32000000xf32, #tpu.memory_space<hbm>> -> memref<4096xf32, #tpu.memory_space<hbm>>
      %dma_start3A_51 = tpu.memref_slice %arg4[%mul3A_49] : memref<32000000xf32, #tpu.memory_space<hbm>> -> memref<4096xf32, #tpu.memory_space<hbm>>
      %dma_start3A_52 = tpu.memref_slice %arg6[%multiple_of3A_47] : memref<8192xf32, #tpu.memory_space<vmem>> -> memref<4096xf32, #tpu.memory_space<vmem>>
      tpu.enqueue_dma source(%dma_start3A_52 : memref<4096xf32, #tpu.memory_space<vmem>>) target(%dma_start3A_51 : memref<4096xf32, #tpu.memory_space<hbm>>) target_semaphore(%arg7 : memref<!tpu.dma_semaphore, #tpu.memory_space<semaphore_mem>>)
    }
    %dma_wait3A = arith.constant 0 : i32
    %dma_wait3A_14 = tpu.memref_slice %arg6[%dma_wait3A] : memref<8192xf32, #tpu.memory_space<vmem>> -> memref<4096xf32, #tpu.memory_space<vmem>>
    %dma_wait3A_15 = arith.constant 0 : i32
    %dma_wait3A_16 = tpu.memref_slice %arg4[%dma_wait3A_15] : memref<32000000xf32, #tpu.memory_space<hbm>> -> memref<4096xf32, #tpu.memory_space<hbm>>
    %dma_wait3A_17 = arith.constant 0 : i32
    %dma_wait3A_18 = tpu.memref_slice %arg4[%dma_wait3A_17] : memref<32000000xf32, #tpu.memory_space<hbm>> -> memref<4096xf32, #tpu.memory_space<hbm>>
    %dma_wait3A_19 = arith.constant 0 : i32
    %dma_wait3A_20 = tpu.memref_slice %arg6[%dma_wait3A_19] : memref<8192xf32, #tpu.memory_space<vmem>> -> memref<4096xf32, #tpu.memory_space<vmem>>
    tpu.wait_dma2 semaphore(%arg7 : memref<!tpu.dma_semaphore, #tpu.memory_space<semaphore_mem>>) src(%dma_wait3A_20 : memref<4096xf32, #tpu.memory_space<vmem>>) dst(%dma_wait3A_18 : memref<4096xf32, #tpu.memory_space<hbm>>)
    %dma_wait3A_21 = arith.constant 0 : i32
    %dma_wait3A_22 = tpu.memref_slice %arg6[%dma_wait3A_21] : memref<8192xf32, #tpu.memory_space<vmem>> -> memref<4096xf32, #tpu.memory_space<vmem>>
    %dma_wait3A_23 = arith.constant 0 : i32
    %dma_wait3A_24 = tpu.memref_slice %arg4[%dma_wait3A_23] : memref<32000000xf32, #tpu.memory_space<hbm>> -> memref<4096xf32, #tpu.memory_space<hbm>>
    %dma_wait3A_25 = arith.constant 0 : i32
    %dma_wait3A_26 = tpu.memref_slice %arg4[%dma_wait3A_25] : memref<32000000xf32, #tpu.memory_space<hbm>> -> memref<4096xf32, #tpu.memory_space<hbm>>
    %dma_wait3A_27 = arith.constant 0 : i32
    %dma_wait3A_28 = tpu.memref_slice %arg6[%dma_wait3A_27] : memref<8192xf32, #tpu.memory_space<vmem>> -> memref<4096xf32, #tpu.memory_space<vmem>>
    tpu.wait_dma2 semaphore(%arg7 : memref<!tpu.dma_semaphore, #tpu.memory_space<semaphore_mem>>) src(%dma_wait3A_28 : memref<4096xf32, #tpu.memory_space<vmem>>) dst(%dma_wait3A_26 : memref<4096xf32, #tpu.memory_space<hbm>>)
    %eq3A = arith.constant 31 : i32
    %eq3A_29 = arith.cmpi eq, %add3A, %eq3A : i32
    %convert_element_type3A = arith.extui %eq3A_29 : i1 to i32
    %cond3A = arith.constant 0 : i32
    %cond3A_30 = arith.cmpi ne, %convert_element_type3A, %cond3A : i32
    scf.if %cond3A_30 {
      "tpu.region"() ({
        %run_scoped3A = tpu.sem_alloc : memref<!tpu.dma_semaphore, #tpu.memory_space<semaphore_mem>>
        %dma_start3A = arith.constant 0 : i32
        %dma_start3A_31 = tpu.memref_slice %arg6[%dma_start3A] : memref<8192xf32, #tpu.memory_space<vmem>> -> memref<2048xf32, #tpu.memory_space<vmem>>
        %dma_start3A_32 = arith.constant 0 : i32
        %dma_start3A_33 = tpu.memref_slice %arg6[%dma_start3A_32] : memref<8192xf32, #tpu.memory_space<vmem>> -> memref<2048xf32, #tpu.memory_space<vmem>>
        tpu.enqueue_dma source(%arg3 : memref<2048xf32, #tpu.memory_space<hbm>>) target(%dma_start3A_33 : memref<2048xf32, #tpu.memory_space<vmem>>) target_semaphore(%run_scoped3A : memref<!tpu.dma_semaphore, #tpu.memory_space<semaphore_mem>>)
        %dma_wait3A_34 = arith.constant 0 : i32
        %dma_wait3A_35 = tpu.memref_slice %arg6[%dma_wait3A_34] : memref<8192xf32, #tpu.memory_space<vmem>> -> memref<2048xf32, #tpu.memory_space<vmem>>
        %dma_wait3A_36 = arith.constant 0 : i32
        %dma_wait3A_37 = tpu.memref_slice %arg6[%dma_wait3A_36] : memref<8192xf32, #tpu.memory_space<vmem>> -> memref<2048xf32, #tpu.memory_space<vmem>>
        tpu.wait_dma2 semaphore(%run_scoped3A : memref<!tpu.dma_semaphore, #tpu.memory_space<semaphore_mem>>) src(%arg3 : memref<2048xf32, #tpu.memory_space<hbm>>) dst(%dma_wait3A_37 : memref<2048xf32, #tpu.memory_space<vmem>>)
        tpu.yield
      }) : () -> ()
      "tpu.region"() ({
        %run_scoped3A = tpu.sem_alloc : memref<!tpu.dma_semaphore, #tpu.memory_space<semaphore_mem>>
        %dma_start3A = arith.constant 0 : i32
        %dma_start3A_31 = tpu.memref_slice %arg6[%dma_start3A] : memref<8192xf32, #tpu.memory_space<vmem>> -> memref<2048xf32, #tpu.memory_space<vmem>>
        %dma_start3A_32 = arith.constant 31997952 : i32
        %dma_start3A_33 = tpu.memref_slice %arg4[%dma_start3A_32] : memref<32000000xf32, #tpu.memory_space<hbm>> -> memref<2048xf32, #tpu.memory_space<hbm>>
        %dma_start3A_34 = arith.constant 31997952 : i32
        %dma_start3A_35 = tpu.memref_slice %arg4[%dma_start3A_34] : memref<32000000xf32, #tpu.memory_space<hbm>> -> memref<2048xf32, #tpu.memory_space<hbm>>
        %dma_start3A_36 = arith.constant 0 : i32
        %dma_start3A_37 = tpu.memref_slice %arg6[%dma_start3A_36] : memref<8192xf32, #tpu.memory_space<vmem>> -> memref<2048xf32, #tpu.memory_space<vmem>>
        tpu.enqueue_dma source(%dma_start3A_37 : memref<2048xf32, #tpu.memory_space<vmem>>) target(%dma_start3A_35 : memref<2048xf32, #tpu.memory_space<hbm>>) target_semaphore(%run_scoped3A : memref<!tpu.dma_semaphore, #tpu.memory_space<semaphore_mem>>)
        %dma_wait3A_38 = arith.constant 0 : i32
        %dma_wait3A_39 = tpu.memref_slice %arg6[%dma_wait3A_38] : memref<8192xf32, #tpu.memory_space<vmem>> -> memref<2048xf32, #tpu.memory_space<vmem>>
        %dma_wait3A_40 = arith.constant 31997952 : i32
        %dma_wait3A_41 = tpu.memref_slice %arg4[%dma_wait3A_40] : memref<32000000xf32, #tpu.memory_space<hbm>> -> memref<2048xf32, #tpu.memory_space<hbm>>
        %dma_wait3A_42 = arith.constant 31997952 : i32
        %dma_wait3A_43 = tpu.memref_slice %arg4[%dma_wait3A_42] : memref<32000000xf32, #tpu.memory_space<hbm>> -> memref<2048xf32, #tpu.memory_space<hbm>>
        %dma_wait3A_44 = arith.constant 0 : i32
        %dma_wait3A_45 = tpu.memref_slice %arg6[%dma_wait3A_44] : memref<8192xf32, #tpu.memory_space<vmem>> -> memref<2048xf32, #tpu.memory_space<vmem>>
        tpu.wait_dma2 semaphore(%run_scoped3A : memref<!tpu.dma_semaphore, #tpu.memory_space<semaphore_mem>>) src(%dma_wait3A_45 : memref<2048xf32, #tpu.memory_space<vmem>>) dst(%dma_wait3A_43 : memref<2048xf32, #tpu.memory_space<hbm>>)
        tpu.yield
      }) : () -> ()
    } else {
    }
    return
  }
}

</mosaic_0001>

<sc_bundles>
// kernel: _relayout.3.cloned.1.call-start
scs
__scs_entry_jumppad:
0x0: {  	(pc) =	sbr.rel $0x88, $3  }
0x1: {  	(tag) =	ssettag $0x0;
	lr =	simm.s32 $0x1  }
0x2: {  	[smem:$0x3F9F] =	sst lr;
	_ =	strace $0xD0000000  }
0x3: {  	_ = 	snop  }
0x4: {  	_ = 	snop  }
0x5: {  	_ = 	snop  }
0x6: {  	_ = 	snop  }
0x7: {  	_ = 	snop  }
__scs_overlays_trampoline_lowered:
0x8: {  	[smem:$0x3FAE] =	sst s0  }
0x9: {  	[smem:$0x3FAF] =	sst s1  }
0xa: {  	[smem:$0x3FB0] =	sst s2  }
0xb: {  	[smem:$0x3FB1] =	sst s3  }
0xc: {  	[smem:$0x3FB2] =	sst s4  }
0xd: {  	[smem:$0x3FB3] =	sst s5  }
0xe: {  	[smem:$0x3FB4] =	sst s6  }
0xf: {  	[smem:$0x3FB5] =	sst s7  }
0x10: {  	[smem:$0x3FB6] =	sst s8  }
0x11: {  	[smem:$0x3FB7] =	sst s9;
	s0 =	simm.s32 @!p0 $0x0  }
0x12: {  	s1 =	sld [smem:$0x3F9D];
	s0 =	simm.s32 @p0 $0x1  }
0x13: {  	[smem:$0x3FB8] =	sst s0;
	s0 =	simm.s32 @!p1 $0x0  }
0x14: {  	s2 =	sld [smem:$0x3F9C];
	s0 =	simm.s32 @p1 $0x1  }
0x15: {  	[smem:$0x3FB9] =	sst s0;
	s0 =	simm.s32 @!p2 $0x0  }
0x16: {  	s3 =	sld [smem:$0x3FDB];
	s0 =	simm.s32 @p2 $0x1  }
0x17: {  	s4 =	simm.s32 $0x1BF5;
	[smem:$0x3FBB] =	sst s0  }
0x18: {  	s0 =	sld [smem:$0x3F9E];
	_ =	swait.ge [sflag:s4], $0x0  }
0x19: {  	s7 =	sld [smem:$0x3F9F]  }
0x1a: {  	s8 =	sadd.s32 $0xFFFFE003, lr  }
0x1b: {  	s9 =	sadd.s32 $0xFFFFFEF7, lr;
	s5 =	simm.s32 $0xFFFFFFFF;
	p2 =	slt.u32 s8, $0xFFFFF086  }
0x1c: {  	p1 =	slt.u32 s9, $0xF7A;
	s5 =	simm.s32 @!p2 $0x0  }
0x1d: {  	s5 =	simm.s32 @p1 $0x1;
	p0 =	seq.s32 s7, s2  }
0x1e: {  	s7 =	smul.u32 @!p0 $0xF7A, s2;
	p2 =	seq.s32 @!p0 s5, $0x0  }
0x1f: {  	s9 =	smul.u32 $0xF7A, s1;
	s8 =	simm.s32 @!p0 $0x1BF5;
	p2 =	por !p2, p0  }
0x20: {  	[sflag:s8] =	ssyncset.s32 @!p0 $0xFFFFF086;
	s6 =	sadd.s32 @!p0 s3, s7;
	s7 =	simm.s32 @!p0 $0x108  }
0x21: {  	s3 =	sadd.s32 s3, s9;
	s6 =	sadd.s32 @!p0 $0x88, s6;
	s7 =	simm.s32 @p2 $0x1082  }
0x22: {  	[simem:s7], [sflag:s8] =	dma.local @!p0 [hbm:s6], $0xF7A  }
0x23: {  	s9 =	sor.u32 $0xD0000000, s2;
	s6 =	simm.s32 $0x108;
	_ =	swait.ge @!p0 [sflag:s8], $0x0  }
0x24: {  	s3 =	sadd.s32 $0x88, s3;
	s6 =	simm.s32 @!p1 $0x1082;
	[sflag:s4] =	ssyncset.s32 $0xFFFFF086  }
0x25: {  	[simem:s6], [sflag:s4] =	dma.local [hbm:s3], $0xF7A  }
0x26: {  	[smem:$0x3F9F] =	sst s1;
	(tag) =	ssettag s2;
	_ =	strace s9  }
0x27: {  	s1 =	sld [smem:$0x3FAF]  }
0x28: {  	s2 =	sld [smem:$0x3FB0]  }
0x29: {  	s4 =	sld [smem:$0x3FB2]  }
0x2a: {  	p0 =	seq.s32 s5, $0x0;
	s5 =	sld [smem:$0x3FB3]  }
0x2b: {  	s6 =	sld [smem:$0x3FB4]  }
0x2c: {  	s7 =	sld [smem:$0x3FB5]  }
0x2d: {  	s3 =	simm.s32 $0x108;
	s8 =	sld [smem:$0x3FB6]  }
0x2e: {  	s3 =	simm.s32 @!p0 $0x1082;
	s9 =	sld [smem:$0x3FB7]  }
0x2f: {  	lr =	sadd.s32 s0, s3;
	s0 =	sld [smem:$0x3FAE]  }
0x30: {  	s3 =	sld [smem:$0x3FB1]  }
0x31: {  	[smem:$0x3FBA] =	sst s10  }
0x32: {  	s10 =	sld [smem:$0x3FB8];
	_ =	sdelay $0x3  }
0x33: {  	p0 =	seq.s32 s10, $0x1;
	s10 =	sld [smem:$0x3FBA];
	_ =	sdelay $0x3  }
0x34: {  	[smem:$0x3FBA] =	sst s10  }
0x35: {  	s10 =	sld [smem:$0x3FB9];
	_ =	sdelay $0x3  }
0x36: {  	p1 =	seq.s32 s10, $0x1;
	s10 =	sld [smem:$0x3FBA];
	_ =	sdelay $0x3  }
0x37: {  	[smem:$0x3FBA] =	sst s10  }
0x38: {  	s10 =	sld [smem:$0x3FBB]  }
0x39: {  	_ = 	snop;
	(pc) =	sbr.ind lr, $3  }
0x3a: {  	_ = 	snop  }
0x3b: {  	_ = 	snop  }
0x3c: {  	p2 =	seq.s32 s10, $0x1;
	s10 =	sld [smem:$0x3FBA]  }
0x3d: {  	_ =	shalt  }
0x3e: {  	_ =	shalt  }
0x3f: {  	_ =	shalt  }
0x40: {  	_ =	shalt  }
0x41: {  	_ =	shalt  }
0x42: {  	_ =	shalt  }
0x43: {  	_ =	shalt  }
0x44: {  	_ =	shalt  }
0x45: {  	_ =	shalt  }
0x46: {  	_ =	shalt  }
0x47: {  	_ =	shalt  }
0x48: {  	_ =	shalt  }
0x49: {  	_ =	shalt  }
0x4a: {  	_ =	shalt  }
0x4b: {  	_ =	shalt  }
0x4c: {  	_ =	shalt  }
0x4d: {  	_ =	shalt  }
0x4e: {  	_ =	shalt  }
0x4f: {  	_ =	shalt  }
0x50: {  	_ =	shalt  }
0x51: {  	_ =	shalt  }
0x52: {  	_ =	shalt  }
0x53: {  	_ =	shalt  }
0x54: {  	_ =	shalt  }
0x55: {  	_ =	shalt  }
0x56: {  	_ =	shalt  }
0x57: {  	_ =	shalt  }
0x58: {  	_ =	shalt  }
0x59: {  	_ =	shalt  }
0x5a: {  	_ =	shalt  }
0x5b: {  	_ =	shalt  }
0x5c: {  	_ =	shalt  }
0x5d: {  	_ =	shalt  }
0x5e: {  	_ =	shalt  }
0x5f: {  	_ =	shalt  }
0x60: {  	_ =	shalt  }
0x61: {  	_ =	shalt  }
0x62: {  	_ =	shalt  }
0x63: {  	_ =	shalt  }
0x64: {  	_ =	shalt  }
0x65: {  	_ =	shalt  }
0x66: {  	_ =	shalt  }
0x67: {  	_ =	shalt  }
0x68: {  	_ =	shalt  }
0x69: {  	_ =	shalt  }
0x6a: {  	_ =	shalt  }
0x6b: {  	_ =	shalt  }
0x6c: {  	_ =	shalt  }
0x6d: {  	_ =	shalt  }
0x6e: {  	_ =	shalt  }
0x6f: {  	_ =	shalt  }
0x70: {  	_ =	shalt  }
0x71: {  	_ =	shalt  }
0x72: {  	_ =	shalt  }
0x73: {  	_ =	shalt  }
0x74: {  	_ =	shalt  }
0x75: {  	_ =	shalt  }
0x76: {  	_ =	shalt  }
0x77: {  	_ =	shalt  }
0x78: {  	_ =	shalt  }
0x79: {  	_ =	shalt  }
0x7a: {  	_ =	shalt  }
0x7b: {  	_ =	shalt  }
0x7c: {  	_ =	shalt  }
0x7d: {  	_ =	shalt  }
0x7e: {  	_ =	shalt  }
0x7f: {  	_ =	shalt  }
0x80: {  	_ =	shalt  }
0x81: {  	_ =	shalt  }
0x82: {  	_ =	shalt  }
0x83: {  	_ =	shalt  }
0x84: {  	_ =	shalt  }
0x85: {  	_ =	shalt  }
0x86: {  	_ =	shalt  }
0x87: {  	_ =	shalt  }
.Lfunc_end0:
.L_simem_size_0:
called_computation_lowered:
.L_overlay_start_0:
0x88: {  	s2 =	sld [smem:$0x3FD9]  }
0x89: {  	s3 =	sld [smem:$0x3FFE];
	_ =	sdelay $0x1  }
0x8a: {  	s1 =	srdreg.scid  }
0x8b: {  	s0 =	sand.u32 $0x1, s1  }
0x8c: {  	s18 =	sshll.u32 s0, $0xA;
	s2 =	sadd.s32 s3, s2  }
0x8d: {  	s2 =	sadd.s32 s2, s18  }
0x8e: {  	[smem:$0x3FC6] =	sst s2  }
0x8f: {  	_ = 	snop  }
0x90: {  	s2 =	sld [smem:$0x3FC9]  }
0x91: {  	s19 =	sld [smem:$0x3FC8]  }
0x92: {  	s4 =	sld [smem:$0x3FD0];
	(tm) =	ssettm $0x1  }
0x93: {  	s5 =	sld [smem:$0x3FFB];
	_ =	sdelay $0x3  }
0x94: {  	_ =	strace s5  }
0x95: {  	s5 =	sld [smem:$0x3FFC];
	_ =	sdelay $0x3  }
0x96: {  	_ =	strace s5  }
0x97: {  	s5 =	sld [smem:$0x3FFD];
	_ =	sdelay $0x3  }
0x98: {  	_ =	strace s5  }
0x99: {  	_ =	strace $0x8FFFFFFF  }
0x9a: {  	s20 =	sld [smem:$0x3FDB];
	_ =	sdelay $0x1  }
0x9b: {  	s6 =	simm.s32 $_scs_section_size  }
0x9c: {  	s7 =	simm.s32 $_size__tile_overlayer_lowered;
	s8 =	simm.s32 $_tile_overlayer_lowered  }
0x9d: {  	s23 =	simm.s32 $0x1BFF;
	s22 =	sshll.u32 s8, $0x1;
	s5 =	sadd.s32 s6, s20  }
0x9e: {  	s9 =	simm.s32 $0x0;
	s21 =	sshll.u32 s7, $0x1;
	s7 =	sadd.s32 s22, s5  }
0x9f: {  	[timem:s9], [sflag:s23] =	dma.local [hbm:s7], s21  }
0xa0: {  	_ =	swait.ge [sflag:s23], s21  }
0xa1: {  	s6 =	ssub.s32 $0x0, s21;
	[sflag:s23] =	ssyncset.done $0x0  }
0xa2: {  	[sflag:s23] =	ssyncadd.s32 s6;
	_ =	sdelay $0x1  }
0xa3: {  	s24 =	simm.s32 $0x1B8B  }
0xa4: {  	_ =	swait.ge [sflag:s24], $0x1  }
0xa5: {  	[sflag:s24] =	ssyncset.done $0x0  }
0xa6: {  	s25 =	simm.s32 $0x1B8E;
	[sflag:s24] =	ssyncadd.s32 $0xFFFFFFFF  }
0xa7: {  	s26 =	simm.s32 $execute0_lowered;
	[smem:$0x3FD2] =	sst s25  }
0xa8: {  	s6 =	sshll.u32 s26, $0x1;
	_ =	strace $0x80000046;
	[dreg:$0x1] =	wrdreg $0xFFFFFFFF  }
0xa9: {  	s28 =	simm.s32 $_size_execute0_lowered;
	s5 =	sadd.s32 s5, s6;
	[dreg:$0x0] =	wrdreg $0x0  }
0xaa: {  	s6 =	sshll.u32 s28, $0x1;
	[dreg:$0x2] =	wrdreg s5  }
0xab: {  	[dreg:$0x3] =	wrdreg s6  }
0xac: {  	[dreg:$0x4] =	wrdreg $0xC0  }
0xad: {  	_ =	task [dreg:s9], $0x5FFFF  }
0xae: {  	[dreg:$0x1] =	wrdreg $0xFFFFFFFF  }
0xaf: {  	[dreg:$0x0] =	wrdreg $0x60  }
0xb0: {  	[dreg:$0x2] =	wrdreg s2  }
0xb1: {  	[dreg:$0x3] =	wrdreg s19  }
0xb2: {  	[dreg:$0x4] =	wrdreg s4  }
0xb3: {  	[dreg:$0x5] =	wrdreg $0x9  }
0xb4: {  	_ =	task.clear_ibuf [dreg:s9], $0x6FFFF;
	_ =	strace $0x90000046  }
0xb5: {  	s29 =	simm.s32 $0x9;
	_ =	strace $0x80000048  }
0xb6: {  	_ =	swait.ge [sflag:s29], $0x1  }
0xb7: {  	[sflag:s29] =	ssyncadd.s32 $0xFFFFFFFF  }
0xb8: {  	_ =	strace $0x90000048  }
0xb9: {  	_ =	sfence  }
0xba: {  	s30 =	sld [smem:$0x0];
	_ =	sdelay $0x2  }
0xbb: {  	s31 =	sshll.u32 s1, $0xD;
	s1 =	sshrl.u32 s1, $0x2  }
0xbc: {  	s3 =	sand.u32 $0x4000, s31;
	s1 =	sadd.s32 s1, s30  }
0xbd: {  	s0 =	sor.u32 s3, s0;
	s1 =	sshll.u32 s1, $0x11  }
0xbe: {  	s0 =	sor.u32 s1, s0  }
0xbf: {  	s0 =	sadd.s32 $0x8F2B, s0  }
0xc0: {  	[sflag:s0] =	ssyncadd.remote.s32 $0x1  }
0xc1: {  	_ =	sfence.sel $0xFFFF  }
0xc2: {  	[dreg:$0x0] =	wrdreg $0xFFFFFFFF;
	(pc) =	sbr.abs _section_cstart, $3  }
0xc3: {  	[dreg:$0x1] =	wrdreg $0xFFFFFFFF  }
0xc4: {  	_ =	task.clear_ibuf [dreg:s9], $0x2FFFF;
	_ =	strace $0x9FFFFFFF  }
0xc5: {  	(tm) =	ssettm $0x7FFFFFFF  }
tec
execute0_lowered:
.L_overlay_start_1:
0x0: {  	(tag) =	ssettag $0x1  }
0x1: {  	s1 =	rddreg [dreg:$0x0]  }
0x2: {  	s2 =	rddreg [dreg:$0x1]  }
0x3: {  	s3 =	rddreg [dreg:$0x2]  }
0x4: {  	s4 =	srdreg.scid;
	s0 =	rddreg [dreg:$0x3];
	s5 =	simm.s32 $0x0  }
0x5: {  	s12 =	simm.s32 $0x2;
	s13 =	simm.s32 $0x1000;
	s6 =	sand.u32 $0x1, s4  }
0x6: {  	s15 =	simm.s32 $0x0;
	s4 =	stileid.u32;
	s7 =	smul.u32 $0xFFFFFF0B, s6  }
0x7: {  	[smem:$0x7FF] =	sst s5;
	s8 =	ssub.s32 $0x2, s6;
	s9 =	smul.u32 $0xFFFFFE16, s4  }
0x8: {  	_ =	strace $0x80000047;
	s11 =	sshll.u32 s4, $0x1;
	s10 =	sshrl.u32 s8, $0x1  }
0x9: {  	v0 =	vlaneseq.u32;
	s14 =	sor.u32 s6, s11;
	s11 =	simm.s32 $0x7A1400;
	s10 =	ssub.s32 s8, s10  }
0xa: {  	v1 =	vmul.u32 $0x80, v0;
	s31 =	sadd.s32 s9, s7;
	s6 =	smul.u32 $0xF5, s14;
	s7 =	sadd.s32 $0x3D0800, s3  }
0xb: {  	p0 =	sne.s32 s14, $0x1F;
	s14 =	simm.s32 $0x1;
	s8 =	sadd.s32 $0x1E84, s31  }
0xc: {  	v3 =	vor.u32 $0x10, v0;
	v2 =	vor.u32 $0x800, v1;
	s9 =	smax.u32 s10, $0x1;
	s10 =	simm.s32 $0x400;
	s8 =	smin.u32 s8, $0xF5  }
.LBB2_1:
0xd: {  	s16 =	simm.s32 $0x0  }
.LBB2_2:
0xe: {  	s17 =	sadd.s32 s6, s16  }
0xf: {  	s18 =	sshll.u32 s17, $0x7  }
0x10: {  	s19 =	simm.s32 $0x0;
	s18 =	sadd.s32 s1, s18  }
0x11: {  	v4 =	vadd.s32 s19, v0;
	[tilespmem:s5], [sflag:$0x2] =	stream.strided.gather [hbm4b:s18+s10], $0x1000, s11, s10, $0x38;
	[tilespmem:$0x3000] =	vst v63  }
0x12: {  	v4 =	vand.u32 $0x7F, v4;
	_ =	swait.ge [sflag:s12], $0x1000  }
0x13: {  	p1 =	slt.u32 s16, $0x2;
	v5 =	vor.u32 v1, v4;
	[sflag:s12] =	ssyncset.done $0x0  }
0x14: {  	s23 =	sshll.u32 s16, $0xC;
	s19 =	simm.s32 @!p1 $0x1;
	v6 =	vor.u32 v2, v4;
	[sflag:s12] =	ssyncadd.s32 $0xFFFFF000  }
0x15: {  	s18 =	sand.u32 $0x1000, s23;
	v7 =	vshll.u32 v4, $0x5;
	_ =	swait.ge @!p1 [sflag:s19], $0x1000  }
0x16: {  	v4 =	vmov s18;
	v8 =	vor.u32 v0, v7;
	v9 =	vand.u32 $0xF80, v7;
	[sflag:s19] =	ssyncset.done @!p1 $0x0  }
0x17: {  	s24 =	simm.s32 $0x1;
	v7 =	vor.u32 v3, v7;
	v9 =	vor.u32 v4, v9;
	v8 =	vand.u32 $0x6F, v8;
	[sflag:s19] =	ssyncadd.s32 @!p1 $0xFFFFF000  }
0x18: {  	v10 =	vadd.s32 s24, v0;
	v7 =	vand.u32 $0x7F, v7;
	v8 =	vor.u32 v8, v9;
	v5 =	vld.idx.msk [tilespmem:v5+s5+$0x0], $0xffff  }
0x19: {  	v7 =	vor.u32 v7, v9;
	v9 =	vand.u32 $0x7F, v10;
	v6 =	vld.idx.msk [tilespmem:v6+s5+$0x0], $0xffff  }
0x1a: {  	v10 =	vor.u32 v1, v9  }
0x1b: {  	v11 =	vor.u32 v2, v9  }
0x1c: {  	v9 =	vshll.u32 v9, $0x5  }
0x1d: {  	v12 =	vor.u32 v0, v9;
	v13 =	vand.u32 $0xF80, v9;
	[tilespmem:v8+s13+$0x0] =	vst.idx.msk $0xffff, v5  }
0x1e: {  	s25 =	simm.s32 $0x2;
	v9 =	vor.u32 v3, v9;
	v5 =	vor.u32 v4, v13;
	v8 =	vand.u32 $0x6F, v12;
	[tilespmem:v7+s13+$0x0] =	vst.idx.msk $0xffff, v6  }
0x1f: {  	v6 =	vor.u32 v8, v5;
	v7 =	vand.u32 $0x7F, v9;
	v9 =	vadd.s32 s25, v0;
	v8 =	vld.idx.msk [tilespmem:v10+s5+$0x0], $0xffff  }
0x20: {  	v5 =	vor.u32 v7, v5;
	v7 =	vld.idx.msk [tilespmem:v11+s5+$0x0], $0xffff;
	v9 =	vand.u32 $0x7F, v9  }
0x21: {  	v10 =	vor.u32 v1, v9  }
0x22: {  	v11 =	vor.u32 v2, v9  }
0x23: {  	v9 =	vshll.u32 v9, $0x5  }
0x24: {  	v50 =	vor.u32 v0, v9;
	v51 =	vand.u32 $0xF80, v9;
	[tilespmem:v6+s13+$0x0] =	vst.idx.msk $0xffff, v8  }
0x25: {  	s26 =	simm.s32 $0x3;
	v9 =	vor.u32 v3, v9;
	v6 =	vor.u32 v4, v51;
	v8 =	vand.u32 $0x6F, v50;
	[tilespmem:v5+s13+$0x0] =	vst.idx.msk $0xffff, v7  }
0x26: {  	v5 =	vor.u32 v8, v6;
	v7 =	vand.u32 $0x7F, v9;
	v9 =	vadd.s32 s26, v0;
	v8 =	vld.idx.msk [tilespmem:v10+s5+$0x0], $0xffff  }
0x27: {  	v6 =	vor.u32 v7, v6;
	v7 =	vld.idx.msk [tilespmem:v11+s5+$0x0], $0xffff;
	v9 =	vand.u32 $0x7F, v9  }
0x28: {  	v10 =	vor.u32 v1, v9  }
0x29: {  	v11 =	vor.u32 v2, v9  }
0x2a: {  	v9 =	vshll.u32 v9, $0x5  }
0x2b: {  	v52 =	vor.u32 v0, v9;
	v53 =	vand.u32 $0xF80, v9;
	[tilespmem:v5+s13+$0x0] =	vst.idx.msk $0xffff, v8  }
0x2c: {  	s28 =	simm.s32 $0x4;
	v9 =	vor.u32 v3, v9;
	v5 =	vor.u32 v4, v53;
	v8 =	vand.u32 $0x6F, v52;
	[tilespmem:v6+s13+$0x0] =	vst.idx.msk $0xffff, v7  }
0x2d: {  	v6 =	vor.u32 v8, v5;
	v7 =	vand.u32 $0x7F, v9;
	v9 =	vadd.s32 s28, v0;
	v8 =	vld.idx.msk [tilespmem:v10+s5+$0x0], $0xffff  }
0x2e: {  	v5 =	vor.u32 v7, v5;
	v7 =	vld.idx.msk [tilespmem:v11+s5+$0x0], $0xffff;
	v9 =	vand.u32 $0x7F, v9  }
0x2f: {  	v10 =	vor.u32 v1, v9  }
0x30: {  	v11 =	vor.u32 v2, v9  }
0x31: {  	v9 =	vshll.u32 v9, $0x5  }
0x32: {  	v54 =	vor.u32 v0, v9;
	v55 =	vand.u32 $0xF80, v9;
	[tilespmem:v6+s13+$0x0] =	vst.idx.msk $0xffff, v8  }
0x33: {  	s29 =	simm.s32 $0x5;
	v9 =	vor.u32 v3, v9;
	v6 =	vor.u32 v4, v55;
	v8 =	vand.u32 $0x6F, v54;
	[tilespmem:v5+s13+$0x0] =	vst.idx.msk $0xffff, v7  }
0x34: {  	v5 =	vor.u32 v8, v6;
	v7 =	vand.u32 $0x7F, v9;
	v9 =	vadd.s32 s29, v0;
	v8 =	vld.idx.msk [tilespmem:v10+s5+$0x0], $0xffff  }
0x35: {  	v6 =	vor.u32 v7, v6;
	v7 =	vld.idx.msk [tilespmem:v11+s5+$0x0], $0xffff;
	v9 =	vand.u32 $0x7F, v9  }
0x36: {  	v10 =	vor.u32 v1, v9  }
0x37: {  	v11 =	vor.u32 v2, v9  }
0x38: {  	v9 =	vshll.u32 v9, $0x5  }
0x39: {  	v56 =	vor.u32 v0, v9;
	v57 =	vand.u32 $0xF80, v9;
	[tilespmem:v5+s13+$0x0] =	vst.idx.msk $0xffff, v8  }
0x3a: {  	s30 =	simm.s32 $0x6;
	v9 =	vor.u32 v3, v9;
	v5 =	vor.u32 v4, v57;
	v8 =	vand.u32 $0x6F, v56;
	[tilespmem:v6+s13+$0x0] =	vst.idx.msk $0xffff, v7  }
0x3b: {  	v6 =	vor.u32 v8, v5;
	v7 =	vand.u32 $0x7F, v9;
	v9 =	vadd.s32 s30, v0;
	v8 =	vld.idx.msk [tilespmem:v10+s5+$0x0], $0xffff  }
0x3c: {  	v5 =	vor.u32 v7, v5;
	v7 =	vld.idx.msk [tilespmem:v11+s5+$0x0], $0xffff;
	v9 =	vand.u32 $0x7F, v9  }
0x3d: {  	v10 =	vor.u32 v1, v9  }
0x3e: {  	v11 =	vor.u32 v2, v9  }
0x3f: {  	v9 =	vshll.u32 v9, $0x5  }
0x40: {  	v58 =	vor.u32 v0, v9;
	v59 =	vand.u32 $0xF80, v9;
	[tilespmem:v6+s13+$0x0] =	vst.idx.msk $0xffff, v8  }
0x41: {  	s31 =	simm.s32 $0x7;
	v9 =	vor.u32 v3, v9;
	v6 =	vor.u32 v4, v59;
	v8 =	vand.u32 $0x6F, v58;
	[tilespmem:v5+s13+$0x0] =	vst.idx.msk $0xffff, v7  }
0x42: {  	v5 =	vor.u32 v8, v6;
	v7 =	vand.u32 $0x7F, v9;
	v9 =	vadd.s32 s31, v0;
	v8 =	vld.idx.msk [tilespmem:v10+s5+$0x0], $0xffff  }
0x43: {  	v6 =	vor.u32 v7, v6;
	v7 =	vld.idx.msk [tilespmem:v11+s5+$0x0], $0xffff;
	v9 =	vand.u32 $0x7F, v9  }
0x44: {  	v10 =	vor.u32 v1, v9  }
0x45: {  	v60 =	vor.u32 v2, v9  }
0x46: {  	v11 =	vshll.u32 v9, $0x5  }
0x47: {  	v9 =	vor.u32 v0, v11;
	v61 =	vand.u32 $0xF80, v11;
	[tilespmem:v5+s13+$0x0] =	vst.idx.msk $0xffff, v8  }
0x48: {  	s19 =	simm.s32 $0x8;
	v5 =	vor.u32 v4, v61;
	v8 =	vand.u32 $0x6F, v9;
	v9 =	vor.u32 v3, v11;
	[tilespmem:v6+s13+$0x0] =	vst.idx.msk $0xffff, v7  }
0x49: {  	v11 =	vor.u32 v8, v5;
	v6 =	vand.u32 $0x7F, v9;
	v7 =	vadd.s32 s19, v0;
	v62 =	vld.idx.msk [tilespmem:v10+s5+$0x0], $0xffff  }
0x4a: {  	v6 =	vor.u32 v6, v5;
	v5 =	vand.u32 $0x7F, v7;
	v10 =	vld.idx.msk [tilespmem:v60+s5+$0x0], $0xffff  }
0x4b: {  	v9 =	vor.u32 v1, v5;
	v8 =	vor.u32 v2, v5;
	v5 =	vshll.u32 v5, $0x5  }
0x4c: {  	v7 =	vor.u32 v0, v5;
	v14 =	vand.u32 $0xF80, v5;
	v5 =	vor.u32 v3, v5  }
0x4d: {  	v63 =	vor.u32 v4, v14;
	v7 =	vand.u32 $0x6F, v7;
	v5 =	vand.u32 $0x7F, v5  }
0x4e: {  	s20 =	simm.s32 $0x10;
	v7 =	vor.u32 v7, v63;
	v5 =	vor.u32 v5, v63;
	[tilespmem:v11+s13+$0x0] =	vst.idx.msk $0xffff, v62  }
.LBB2_3:
0x4f: {  	p1 =	slt.u32 s20, $0x78;
	[tilespmem:v6+s13+$0x0] =	vst.idx.msk $0xffff, v10;
	s21 =	smov.u32 s20;
	s20 =	sadd.s32 $0x8, s20  }
0x50: {  	s22 =	sadd.s32 $0x1, s19;
	v6 =	vld.idx.msk [tilespmem:v9+s5+$0x0], $0xffff  }
0x51: {  	v9 =	vadd.s32 s22, v0;
	v8 =	vld.idx.msk [tilespmem:v8+s5+$0x0], $0xffff  }
0x52: {  	v9 =	vand.u32 $0x7F, v9  }
0x53: {  	v10 =	vor.u32 v1, v9;
	v11 =	vshll.u32 v9, $0x5  }
0x54: {  	v9 =	vor.u32 v2, v9;
	v12 =	vor.u32 v0, v11;
	v13 =	vand.u32 $0xF80, v11  }
0x55: {  	v11 =	vor.u32 v3, v11;
	v13 =	vor.u32 v4, v13;
	v12 =	vand.u32 $0x6F, v12  }
0x56: {  	[tilespmem:v7+s13+$0x0] =	vst.idx.msk $0xffff, v6;
	v6 =	vor.u32 v12, v13;
	v7 =	vand.u32 $0x7F, v11  }
0x57: {  	[tilespmem:v5+s13+$0x0] =	vst.idx.msk $0xffff, v8;
	v5 =	vor.u32 v7, v13  }
0x58: {  	s22 =	sadd.s32 $0x2, s19;
	v7 =	vld.idx.msk [tilespmem:v10+s5+$0x0], $0xffff  }
0x59: {  	v8 =	vld.idx.msk [tilespmem:v9+s5+$0x0], $0xffff;
	v9 =	vadd.s32 s22, v0  }
0x5a: {  	v9 =	vand.u32 $0x7F, v9  }
0x5b: {  	v10 =	vor.u32 v1, v9;
	v11 =	vshll.u32 v9, $0x5  }
0x5c: {  	v9 =	vor.u32 v2, v9;
	v12 =	vor.u32 v0, v11;
	v13 =	vand.u32 $0xF80, v11  }
0x5d: {  	v11 =	vor.u32 v3, v11;
	v13 =	vor.u32 v4, v13;
	v12 =	vand.u32 $0x6F, v12  }
0x5e: {  	[tilespmem:v6+s13+$0x0] =	vst.idx.msk $0xffff, v7;
	v6 =	vor.u32 v12, v13;
	v7 =	vand.u32 $0x7F, v11  }
0x5f: {  	[tilespmem:v5+s13+$0x0] =	vst.idx.msk $0xffff, v8;
	v5 =	vor.u32 v7, v13  }
0x60: {  	s22 =	sadd.s32 $0x3, s19;
	v7 =	vld.idx.msk [tilespmem:v10+s5+$0x0], $0xffff  }
0x61: {  	v8 =	vld.idx.msk [tilespmem:v9+s5+$0x0], $0xffff;
	v9 =	vadd.s32 s22, v0  }
0x62: {  	v9 =	vand.u32 $0x7F, v9  }
0x63: {  	v10 =	vor.u32 v1, v9;
	v11 =	vshll.u32 v9, $0x5  }
0x64: {  	v9 =	vor.u32 v2, v9;
	v12 =	vor.u32 v0, v11;
	v13 =	vand.u32 $0xF80, v11  }
0x65: {  	v11 =	vor.u32 v3, v11;
	v13 =	vor.u32 v4, v13;
	v12 =	vand.u32 $0x6F, v12  }
0x66: {  	[tilespmem:v6+s13+$0x0] =	vst.idx.msk $0xffff, v7;
	v6 =	vor.u32 v12, v13;
	v7 =	vand.u32 $0x7F, v11  }
0x67: {  	[tilespmem:v5+s13+$0x0] =	vst.idx.msk $0xffff, v8;
	v5 =	vor.u32 v7, v13  }
0x68: {  	s22 =	sadd.s32 $0x4, s19;
	v7 =	vld.idx.msk [tilespmem:v10+s5+$0x0], $0xffff  }
0x69: {  	v8 =	vld.idx.msk [tilespmem:v9+s5+$0x0], $0xffff;
	v9 =	vadd.s32 s22, v0  }
0x6a: {  	v9 =	vand.u32 $0x7F, v9  }
0x6b: {  	v10 =	vor.u32 v1, v9;
	v11 =	vshll.u32 v9, $0x5  }
0x6c: {  	v9 =	vor.u32 v2, v9;
	v12 =	vor.u32 v0, v11;
	v13 =	vand.u32 $0xF80, v11  }
0x6d: {  	v11 =	vor.u32 v3, v11;
	v13 =	vor.u32 v4, v13;
	v12 =	vand.u32 $0x6F, v12  }
0x6e: {  	[tilespmem:v6+s13+$0x0] =	vst.idx.msk $0xffff, v7;
	v6 =	vor.u32 v12, v13;
	v7 =	vand.u32 $0x7F, v11  }
0x6f: {  	[tilespmem:v5+s13+$0x0] =	vst.idx.msk $0xffff, v8;
	v5 =	vor.u32 v7, v13  }
0x70: {  	s22 =	sadd.s32 $0x5, s19;
	v7 =	vld.idx.msk [tilespmem:v10+s5+$0x0], $0xffff  }
0x71: {  	v8 =	vld.idx.msk [tilespmem:v9+s5+$0x0], $0xffff;
	v9 =	vadd.s32 s22, v0  }
0x72: {  	v9 =	vand.u32 $0x7F, v9  }
0x73: {  	v10 =	vor.u32 v1, v9;
	v11 =	vshll.u32 v9, $0x5  }
0x74: {  	v9 =	vor.u32 v2, v9;
	v12 =	vor.u32 v0, v11;
	v13 =	vand.u32 $0xF80, v11  }
0x75: {  	v11 =	vor.u32 v3, v11;
	v13 =	vor.u32 v4, v13;
	v12 =	vand.u32 $0x6F, v12  }
0x76: {  	[tilespmem:v6+s13+$0x0] =	vst.idx.msk $0xffff, v7;
	v6 =	vor.u32 v12, v13;
	v7 =	vand.u32 $0x7F, v11  }
0x77: {  	[tilespmem:v5+s13+$0x0] =	vst.idx.msk $0xffff, v8;
	v5 =	vor.u32 v7, v13  }
0x78: {  	s22 =	sadd.s32 $0x6, s19;
	v7 =	vld.idx.msk [tilespmem:v10+s5+$0x0], $0xffff  }
0x79: {  	v8 =	vld.idx.msk [tilespmem:v9+s5+$0x0], $0xffff;
	v9 =	vadd.s32 s22, v0  }
0x7a: {  	v9 =	vand.u32 $0x7F, v9  }
0x7b: {  	v10 =	vor.u32 v1, v9;
	v11 =	vshll.u32 v9, $0x5  }
0x7c: {  	v9 =	vor.u32 v2, v9;
	v12 =	vor.u32 v0, v11;
	v13 =	vand.u32 $0xF80, v11  }
0x7d: {  	v11 =	vor.u32 v3, v11;
	v13 =	vor.u32 v4, v13;
	v12 =	vand.u32 $0x6F, v12  }
0x7e: {  	[tilespmem:v6+s13+$0x0] =	vst.idx.msk $0xffff, v7;
	v6 =	vor.u32 v12, v13;
	v7 =	vand.u32 $0x7F, v11  }
0x7f: {  	[tilespmem:v5+s13+$0x0] =	vst.idx.msk $0xffff, v8;
	v5 =	vor.u32 v7, v13  }
0x80: {  	s22 =	sadd.s32 $0x7, s19;
	s19 =	smov.u32 s21;
	v7 =	vld.idx.msk [tilespmem:v10+s5+$0x0], $0xffff  }
0x81: {  	v8 =	vld.idx.msk [tilespmem:v9+s5+$0x0], $0xffff;
	v9 =	vadd.s32 s22, v0  }
0x82: {  	v9 =	vand.u32 $0x7F, v9  }
0x83: {  	v10 =	vor.u32 v1, v9;
	v11 =	vshll.u32 v9, $0x5  }
0x84: {  	v9 =	vor.u32 v2, v9;
	v12 =	vor.u32 v0, v11;
	v13 =	vand.u32 $0xF80, v11  }
0x85: {  	v11 =	vor.u32 v3, v11;
	v13 =	vor.u32 v4, v13;
	v12 =	vand.u32 $0x6F, v12  }
0x86: {  	[tilespmem:v6+s13+$0x0] =	vst.idx.msk $0xffff, v7;
	v12 =	vor.u32 v12, v13;
	v6 =	vand.u32 $0x7F, v11  }
0x87: {  	[tilespmem:v5+s13+$0x0] =	vst.idx.msk $0xffff, v8;
	v6 =	vor.u32 v6, v13  }
0x88: {  	v11 =	vld.idx.msk [tilespmem:v10+s5+$0x0], $0xffff  }
0x89: {  	v5 =	vadd.s32 s19, v0;
	v10 =	vld.idx.msk [tilespmem:v9+s5+$0x0], $0xffff  }
.Ltmp0:
0x8a: {  	v5 =	vand.u32 $0x7F, v5;
	(pc) =	sbr.rel @p1 .LBB2_3-.Ltmp0, $4  }
0x8b: {  	v9 =	vor.u32 v1, v5;
	v8 =	vor.u32 v2, v5;
	v5 =	vshll.u32 v5, $0x5  }
0x8c: {  	v7 =	vor.u32 v0, v5;
	v13 =	vand.u32 $0xF80, v5;
	v5 =	vor.u32 v3, v5  }
0x8d: {  	v13 =	vor.u32 v4, v13;
	v7 =	vand.u32 $0x6F, v7;
	v5 =	vand.u32 $0x7F, v5  }
0x8e: {  	v7 =	vor.u32 v7, v13;
	v5 =	vor.u32 v5, v13;
	[tilespmem:v12+s13+$0x0] =	vst.idx.msk $0xffff, v11  }
0x8f: {  	_ =	sdelay $0x3  }
0x90: {  	[tilespmem:v6+s13+$0x0] =	vst.idx.msk $0xffff, v10;
	s20 =	sadd.s32 $0x1, s19  }
0x91: {  	v6 =	vld.idx.msk [tilespmem:v9+s5+$0x0], $0xffff;
	v47 =	vadd.s32 s20, v0  }
0x92: {  	v8 =	vld.idx.msk [tilespmem:v8+s5+$0x0], $0xffff;
	v9 =	vand.u32 $0x7F, v47  }
0x93: {  	v48 =	vor.u32 v1, v9  }
0x94: {  	v11 =	vor.u32 v2, v9  }
0x95: {  	v9 =	vshll.u32 v9, $0x5  }
0x96: {  	v12 =	vor.u32 v0, v9;
	v13 =	vand.u32 $0xF80, v9;
	[tilespmem:v7+s13+$0x0] =	vst.idx.msk $0xffff, v6  }
0x97: {  	s25 =	sadd.s32 $0x2, s19;
	v9 =	vor.u32 v3, v9;
	v49 =	vor.u32 v4, v13;
	v50 =	vand.u32 $0x6F, v12;
	[tilespmem:v5+s13+$0x0] =	vst.idx.msk $0xffff, v8  }
0x98: {  	v52 =	vadd.s32 s25, v0;
	v51 =	vand.u32 $0x7F, v9;
	v5 =	vor.u32 v50, v49;
	v8 =	vld.idx.msk [tilespmem:v48+s5+$0x0], $0xffff  }
0x99: {  	v9 =	vand.u32 $0x7F, v52;
	v6 =	vor.u32 v51, v49;
	v53 =	vld.idx.msk [tilespmem:v11+s5+$0x0], $0xffff  }
0x9a: {  	v54 =	vor.u32 v1, v9  }
0x9b: {  	v55 =	vor.u32 v2, v9  }
0x9c: {  	v9 =	vshll.u32 v9, $0x5  }
0x9d: {  	v56 =	vor.u32 v0, v9;
	v57 =	vand.u32 $0xF80, v9;
	[tilespmem:v5+s13+$0x0] =	vst.idx.msk $0xffff, v8  }
0x9e: {  	s26 =	sadd.s32 $0x3, s19;
	v9 =	vor.u32 v3, v9;
	v58 =	vand.u32 $0x6F, v56;
	v5 =	vor.u32 v4, v57;
	[tilespmem:v6+s13+$0x0] =	vst.idx.msk $0xffff, v53  }
0x9f: {  	v62 =	vadd.s32 s26, v0;
	v60 =	vand.u32 $0x7F, v9;
	v59 =	vor.u32 v58, v5;
	v61 =	vld.idx.msk [tilespmem:v54+s5+$0x0], $0xffff  }
0xa0: {  	v9 =	vand.u32 $0x7F, v62;
	v5 =	vor.u32 v60, v5;
	v63 =	vld.idx.msk [tilespmem:v55+s5+$0x0], $0xffff  }
0xa1: {  	v16 =	vor.u32 v1, v9  }
0xa2: {  	v17 =	vor.u32 v2, v9  }
0xa3: {  	v9 =	vshll.u32 v9, $0x5  }
0xa4: {  	v18 =	vor.u32 v0, v9;
	v19 =	vand.u32 $0xF80, v9;
	[tilespmem:v59+s13+$0x0] =	vst.idx.msk $0xffff, v61  }
0xa5: {  	s28 =	sadd.s32 $0x4, s19;
	v9 =	vor.u32 v3, v9;
	v20 =	vor.u32 v4, v19;
	v21 =	vand.u32 $0x6F, v18;
	[tilespmem:v5+s13+$0x0] =	vst.idx.msk $0xffff, v63  }
0xa6: {  	v24 =	vadd.s32 s28, v0;
	v22 =	vand.u32 $0x7F, v9;
	v5 =	vor.u32 v21, v20;
	v23 =	vld.idx.msk [tilespmem:v16+s5+$0x0], $0xffff  }
0xa7: {  	v9 =	vand.u32 $0x7F, v24;
	v6 =	vor.u32 v22, v20;
	v25 =	vld.idx.msk [tilespmem:v17+s5+$0x0], $0xffff  }
0xa8: {  	v26 =	vor.u32 v1, v9  }
0xa9: {  	v27 =	vor.u32 v2, v9  }
0xaa: {  	v9 =	vshll.u32 v9, $0x5  }
0xab: {  	v28 =	vor.u32 v0, v9;
	v29 =	vand.u32 $0xF80, v9;
	[tilespmem:v5+s13+$0x0] =	vst.idx.msk $0xffff, v23  }
0xac: {  	s29 =	sadd.s32 $0x5, s19;
	v9 =	vor.u32 v3, v9;
	v30 =	vand.u32 $0x6F, v28;
	v5 =	vor.u32 v4, v29;
	[tilespmem:v6+s13+$0x0] =	vst.idx.msk $0xffff, v25  }
0xad: {  	v34 =	vadd.s32 s29, v0;
	v32 =	vand.u32 $0x7F, v9;
	v31 =	vor.u32 v30, v5;
	v33 =	vld.idx.msk [tilespmem:v26+s5+$0x0], $0xffff  }
0xae: {  	v9 =	vand.u32 $0x7F, v34;
	v5 =	vor.u32 v32, v5;
	v35 =	vld.idx.msk [tilespmem:v27+s5+$0x0], $0xffff  }
0xaf: {  	v36 =	vor.u32 v1, v9  }
0xb0: {  	v37 =	vor.u32 v2, v9  }
0xb1: {  	v9 =	vshll.u32 v9, $0x5  }
0xb2: {  	v38 =	vor.u32 v0, v9;
	v39 =	vand.u32 $0xF80, v9;
	[tilespmem:v31+s13+$0x0] =	vst.idx.msk $0xffff, v33  }
0xb3: {  	s30 =	sadd.s32 $0x6, s19;
	v9 =	vor.u32 v3, v9;
	v40 =	vor.u32 v4, v39;
	v41 =	vand.u32 $0x6F, v38;
	[tilespmem:v5+s13+$0x0] =	vst.idx.msk $0xffff, v35  }
0xb4: {  	v44 =	vadd.s32 s30, v0;
	v42 =	vand.u32 $0x7F, v9;
	v5 =	vor.u32 v41, v40;
	v43 =	vld.idx.msk [tilespmem:v36+s5+$0x0], $0xffff  }
0xb5: {  	v9 =	vand.u32 $0x7F, v44;
	v6 =	vor.u32 v42, v40;
	v45 =	vld.idx.msk [tilespmem:v37+s5+$0x0], $0xffff  }
0xb6: {  	v46 =	vor.u32 v1, v9  }
0xb7: {  	v47 =	vor.u32 v2, v9  }
0xb8: {  	v9 =	vshll.u32 v9, $0x5  }
0xb9: {  	v48 =	vor.u32 v0, v9;
	v49 =	vand.u32 $0xF80, v9;
	[tilespmem:v5+s13+$0x0] =	vst.idx.msk $0xffff, v43  }
0xba: {  	s31 =	sadd.s32 $0x7, s19;
	v9 =	vor.u32 v3, v9;
	v50 =	vand.u32 $0x6F, v48;
	v5 =	vor.u32 v4, v49;
	[tilespmem:v6+s13+$0x0] =	vst.idx.msk $0xffff, v45  }
0xbb: {  	v54 =	vadd.s32 s31, v0;
	v52 =	vand.u32 $0x7F, v9;
	v51 =	vor.u32 v50, v5;
	v53 =	vld.idx.msk [tilespmem:v46+s5+$0x0], $0xffff  }
0xbc: {  	v9 =	vand.u32 $0x7F, v54;
	v5 =	vor.u32 v52, v5;
	v55 =	vld.idx.msk [tilespmem:v47+s5+$0x0], $0xffff  }
0xbd: {  	v56 =	vor.u32 v1, v9  }
0xbe: {  	v57 =	vor.u32 v2, v9  }
0xbf: {  	v9 =	vshll.u32 v9, $0x5  }
0xc0: {  	v58 =	vor.u32 v0, v9;
	v59 =	vand.u32 $0xF80, v9;
	[tilespmem:v51+s13+$0x0] =	vst.idx.msk $0xffff, v53  }
0xc1: {  	v61 =	vor.u32 v3, v9;
	v60 =	vand.u32 $0x6F, v58;
	v4 =	vor.u32 v4, v59;
	[tilespmem:v5+s13+$0x0] =	vst.idx.msk $0xffff, v55  }
0xc2: {  	v62 =	vand.u32 $0x7F, v61;
	v5 =	vor.u32 v60, v4;
	v7 =	vld.idx.msk [tilespmem:v56+s5+$0x0], $0xffff  }
0xc3: {  	s16 =	sadd.s32 $0x1, s16;
	v4 =	vor.u32 v62, v4;
	v63 =	vld.idx.msk [tilespmem:v57+s5+$0x0], $0xffff  }
0xc4: {  	p1 =	sne.s32 s16, s8  }
.Ltmp1:
0xc5: {  	_ = 	snop;
	(pc) =	sbr.rel @p1 .LBB2_2-.Ltmp1, $4  }
0xc6: {  	_ = 	snop  }
0xc7: {  	s17 =	sshll.u32 s17, $0x9;
	[tilespmem:v5+s13+$0x0] =	vst.idx.msk $0xffff, v7  }
0xc8: {  	s18 =	sadd.s32 $0x1000, s18;
	s17 =	sadd.s32 s3, s17;
	[tilespmem:v4+s13+$0x0] =	vst.idx.msk $0xffff, v63  }
0xc9: {  	[hbm4b:s17+s5] =	stream.linear.scatter [tilespmem:s18], [sflag:$0x1], $0x1000, $0x38;
	[tilespmem:$0x3000] =	vst v63  }
0xca: {  	_ =	swait.ge [sflag:s14], $0x1000  }
0xcb: {  	[sflag:s14] =	ssyncset.done $0x0  }
0xcc: {  	[sflag:s14] =	ssyncadd.s32 $0xFFFFF000  }
0xcd: {  	_ =	swait.ge [sflag:s14], $0x1000  }
0xce: {  	s16 =	simm.s32 @!p0 $0x0;
	[sflag:s14] =	ssyncset.done $0x0  }
0xcf: {  	s17 =	simm.s32 @!p0 $0x1000;
	s18 =	simm.s32 @!p0 $0x2;
	[sflag:s14] =	ssyncadd.s32 $0xFFFFF000  }
0xd0: {  	[tilespmem:s17], [sflag:$0x2] =	stream.linear.gather @!p0 [hbm4b:s2+s16], $0x800, $0x38;
	[tilespmem:$0x3000] =	vst v63  }
0xd1: {  	s15 =	sadd.s32 $0x1, s15;
	_ =	swait.ge @!p0 [sflag:s18], $0x800  }
0xd2: {  	p1 =	sne.s32 s15, s9;
	[sflag:s18] =	ssyncset.done @!p0 $0x0  }
.Ltmp2:
0xd3: {  	[sflag:s18] =	ssyncadd.s32 @!p0 $0xFFFFF800;
	(pc) =	sbr.rel @p1 .LBB2_1-.Ltmp2, $4  }
0xd4: {  	[hbm4b:s7+s16] =	stream.linear.scatter @!p0 [tilespmem:s17], [sflag:$0x2], $0x800, $0x38;
	[tilespmem:$0x3000] =	vst v63  }
0xd5: {  	_ =	swait.ge @!p0 [sflag:s18], $0x800  }
0xd6: {  	[sflag:s18] =	ssyncset.done @!p0 $0x0  }
0xd7: {  	[sflag:s18] =	ssyncadd.s32 @!p0 $0xFFFFF800  }
0xd8: {  	_ =	sfence.sel $0x180000  }
0xd9: {  	[bflag:$0x0] =	sbarrier.arrive $0xFFFF  }
0xda: {  	p0 =	sne.s32 s4, $0x0;
	_ =	strace $0x90000047  }
0xdb: {  	s0 =	sadd.s32 @!p0 $0x100000, s0;
	[bflag:$0x2] =	sbarrier.arrive $0xFFFF  }
0xdc: {  	[sflag:s0] =	ssyncadd.tile.s32 @!p0 $0x1;
	_ =	shalt  }
.Lfunc_end2:
_tile_overlayer_lowered:
.L_overlay_start_2:
0xdd: {  	(tag) =	ssettag $0x2  }
0xde: {  	s0 =	rddreg [dreg:$0x0];
	s2 =	stileid.u32  }
0xdf: {  	s1 =	rddreg [dreg:$0x1];
	p0 =	sne.s32 s2, $0x0  }
0xe0: {  	s3 =	rddreg [dreg:$0x2];
	[bflag:$0x3] =	sbarrier.arrive $0xFFFF;
	s2 =	simm.s32 @!p0 $0x1C02  }
0xe1: {  	[timem:s3], [sflag:s2] =	dma.local @!p0 [hbm:s0], s1  }
0xe2: {  	s0 =	simm.s32 @!p0 $0x2  }
0xe3: {  	_ =	swait.ge @!p0 [sflag:s0], s1  }
0xe4: {  	s1 =	ssub.s32 @!p0 $0x0, s1;
	[sflag:s0] =	ssyncset.done @!p0 $0x0  }
0xe5: {  	[sflag:s0] =	ssyncadd.s32 @!p0 s1  }
0xe6: {  	[bflag:$0x3] =	sbarrier.arrive $0xFFFF  }
0xe7: {  	_ =	shalt  }

</sc_bundles>
